<compile_context>
chip_gen: v7x
topology: tpu7x:2x2x1
jax: 0.10.2.dev20260603
libtpu: 0.0.44.dev20260713+nightly
codegen_flags: <defaults>
</compile_context>

<pallas_src>
import functools

import jax
import jax.numpy as jnp
from jax import lax
from jax.experimental import pallas as pl
from jax.experimental.pallas import tpu as pltpu
from jax.experimental.pallas import tpu_sc as plsc

FEAT, HID, TD = 16, 64, 256
KNN = 16
D_TBL = 128
RA = 256
RC = 256


def _stage_a_body(x_blk, post_ref, fc0a, fc0a_b, fc0b, fc0b_b, fc1, fc1_b, wq_ref,
                  q_ref, tbl_ref, idx_ref):
    b = pl.program_id(0)
    n_total = post_ref.shape[2]
    xb = x_blk[0]
    posb = xb[:, 0:3]
    feat = xb[:, 3:3 + FEAT]

    h0 = jnp.maximum(jnp.dot(feat, fc0a[...], preferred_element_type=jnp.float32)
                     + fc0a_b[...], 0.0)
    h = jnp.dot(h0, fc0b[...], preferred_element_type=jnp.float32) + fc0b_b[...]
    h1 = jnp.dot(h, fc1[...], preferred_element_type=jnp.float32) + fc1_b[...]
    q_ref[0] = jnp.dot(h1, wq_ref[...], preferred_element_type=jnp.float32)

    pad = jnp.zeros((x_blk.shape[1], D_TBL - HID - 3), jnp.float32)
    tbl_ref[0] = jnp.concatenate([h, posb, pad], axis=1)

    post = post_ref[0][0:3, :]
    s_all = jnp.sum(post * post, axis=0, keepdims=True)
    s_b = jnp.sum(posb * posb, axis=1, keepdims=True)
    cross = jnp.dot(posb, post, preferred_element_type=jnp.float32)
    d = s_b + s_all - 2.0 * cross

    ii = lax.broadcasted_iota(jnp.int32, (n_total, 1), 0)
    iota2 = jnp.concatenate(
        [(ii & 127).astype(jnp.float32), (ii >> 7).astype(jnp.float32)], axis=1)
    cols = []
    for _ in range(KNN):
        m = jnp.min(d, axis=1, keepdims=True)
        eq = d == m
        eqf = jnp.where(eq, 1.0, 0.0)
        pair = jnp.dot(eqf, iota2, preferred_element_type=jnp.float32)
        cols.append(pair[:, 0:1] + 128.0 * pair[:, 1:2])
        d = jnp.where(eq, jnp.float32(jnp.inf), d)
    idxt = jnp.concatenate([jnp.swapaxes(c, 0, 1) for c in cols], axis=0)
    nb = pl.num_programs(0)
    idx_ref[...] = jnp.minimum(idxt.astype(jnp.int32) + b * n_total,
                               nb * n_total - 1)


def _stage_c_body(g_ref, q_ref, tbl_ref, mk_ref, cc_ref, mv_ref, cv_ref,
                  d1, d1_b, d2, d2_b, d2g, g2, g2_b, fc2, fc2_b,
                  out_ref):
    g = g_ref[...]
    hg = g[:, :, 0:HID].reshape(KNN * RC, HID)
    posg = g[:, :, HID:HID + 3].reshape(KNN * RC, 3)

    kg1 = jnp.dot(hg, mk_ref[...], preferred_element_type=jnp.float32)
    vg = jnp.dot(hg, mv_ref[...], preferred_element_type=jnp.float32) + cv_ref[...]

    tb = tbl_ref[0]
    posb = tb[:, HID:HID + 3]
    pe_in = jnp.broadcast_to(posb[None], (KNN, RC, 3)).reshape(KNN * RC, 3) - posg
    t = jnp.maximum(jnp.dot(pe_in, d1[...], preferred_element_type=jnp.float32)
                    + d1_b[...], 0.0)
    pe = jnp.dot(t, d2[...], preferred_element_type=jnp.float32) + d2_b[...]
    peg1 = jnp.dot(t, d2g[...], preferred_element_type=jnp.float32)

    qb = q_ref[0]
    qf = jnp.broadcast_to(qb[None], (KNN, RC, TD)).reshape(KNN * RC, TD)
    t2 = jnp.maximum(qf - kg1 + peg1 + cc_ref[...], 0.0)
    s3 = (jnp.dot(t2, g2[...], preferred_element_type=jnp.float32)
          + g2_b[...]).reshape(KNN, RC, TD)
    m = jnp.max(s3, axis=0, keepdims=True)
    e = jnp.exp(s3 - m)

    vpe = (vg + pe).reshape(KNN, RC, TD)
    num = jnp.sum(e * vpe, axis=0)
    res = num / jnp.sum(e, axis=0)
    out = jnp.dot(res, fc2[...], preferred_element_type=jnp.float32) + fc2_b[...]
    out_ref[0] = out + tb[:, 0:HID]


def _make_sc_gather(n_rows, d, e_total):
    info = plsc.get_sparse_core_info()
    nc, ns = info.num_cores, info.num_subcores
    nw = nc * ns
    per_w = e_total // nw
    chunk = 256
    iters = per_w // chunk
    mesh = plsc.VectorSubcoreMesh(core_axis_name="c", subcore_axis_name="s")

    @functools.partial(
        pl.kernel, mesh=mesh,
        out_type=jax.ShapeDtypeStruct((e_total, d), jnp.float32),
        scratch_types=[
            pltpu.VMEM((chunk,), jnp.int32),
            pltpu.VMEM((chunk,), jnp.int32),
            pltpu.VMEM((2, chunk, d), jnp.float32),
            pltpu.SemaphoreType.DMA,
            pltpu.SemaphoreType.DMA,
            pltpu.SemaphoreType.DMA,
            pltpu.SemaphoreType.DMA,
            pltpu.SemaphoreType.DMA,
            pltpu.SemaphoreType.DMA,
        ],
    )
    def sc_gather(tbl_hbm, idx_hbm, out_hbm, idx0, idx1, rows_v,
                  si0, si1, sg0, sg1, so0, so1):
        wid = lax.axis_index("s") * nc + lax.axis_index("c")
        base = wid * per_w
        idxv = (idx0, idx1)
        si = (si0, si1)
        sg = (sg0, sg1)
        so = (so0, so1)
        idxcp = [None, None]
        gath = [None, None]
        wrb = [None, None]
        idxcp[0] = pltpu.async_copy(idx_hbm.at[pl.ds(base, chunk)], idx0, si0)
        if iters > 1:
            idxcp[1] = pltpu.async_copy(
                idx_hbm.at[pl.ds(base + chunk, chunk)], idx1, si1)
        for c in range(iters):
            bi = c % 2
            if wrb[bi] is not None:
                wrb[bi].wait()
                wrb[bi] = None
            idxcp[bi].wait()
            idxcp[bi] = None
            gath[bi] = pltpu.async_copy(
                tbl_hbm.at[idxv[bi]], rows_v.at[bi], sg[bi])
            if c >= 1:
                pv = 1 - bi
                gath[pv].wait()
                gath[pv] = None
                off = base + (c - 1) * chunk
                wrb[pv] = pltpu.async_copy(
                    rows_v.at[pv], out_hbm.at[pl.ds(off, chunk)], so[pv])
                if c + 1 < iters:
                    idxcp[pv] = pltpu.async_copy(
                        idx_hbm.at[pl.ds(base + (c + 1) * chunk, chunk)],
                        idxv[pv], si[pv])
        last = (iters - 1) % 2
        gath[last].wait()
        wrb[last] = pltpu.async_copy(
            rows_v.at[last],
            out_hbm.at[pl.ds(base + (iters - 1) * chunk, chunk)], so[last])
        for bi in range(2):
            if wrb[bi] is not None:
                wrb[bi].wait()

    return sc_gather


def kernel(x, fc0a_w, fc0a_b, fc0b_w, fc0b_b, fc1_w, fc1_b, fc2_w, fc2_b,
           d1_w, d1_b, d2_w, d2_b, g1_w, g1_b, g2_w, g2_b, wq, wk, wv):
    B, N, _ = x.shape
    nb_a = N // RA
    nb_c = N // RC
    e_total = N * KNN

    post_all = jnp.swapaxes(x[:, :, 0:3], 1, 2)
    pad8 = jnp.zeros((B, 5, N), jnp.float32)
    post_all = jnp.concatenate([post_all, pad8], axis=1)

    r2 = lambda v: v.reshape(1, -1)
    full = lambda arr: pl.BlockSpec(arr.shape, lambda b, i: (0,) * arr.ndim)

    sc_gather = _make_sc_gather(N, D_TBL, e_total)

    wkg = wk @ g1_w
    mk = fc1_w @ wkg
    mv = fc1_w @ wv
    cv = fc1_b @ wv
    mq = wq @ g1_w
    d2g = d2_w @ g1_w
    cc = d2_b @ g1_w - (fc1_b @ wkg - g1_b)
    g2s = g2_w * (1.0 / 16.0)
    g2bs = g2_b * (1.0 / 16.0)

    qs, tbls, idxs = [], [], []
    for bb in range(B):
        q, tbl, gidx = pl.pallas_call(
            _stage_a_body,
            grid=(1, nb_a),
            in_specs=[
                pl.BlockSpec((1, RA, 3 + FEAT), lambda b, i: (b, i, 0)),
                pl.BlockSpec((1, 8, N), lambda b, i: (b, 0, 0)),
                full(fc0a_w), full(r2(fc0a_b)), full(fc0b_w), full(r2(fc0b_b)),
                full(fc1_w), full(r2(fc1_b)), full(wq),
            ],
            out_specs=[
                pl.BlockSpec((1, RA, TD), lambda b, i: (b, i, 0)),
                pl.BlockSpec((1, RA, D_TBL), lambda b, i: (b, i, 0)),
                pl.BlockSpec((KNN, RA), lambda b, i: (0, i)),
            ],
            out_shape=[
                jax.ShapeDtypeStruct((1, N, TD), jnp.float32),
                jax.ShapeDtypeStruct((1, N, D_TBL), jnp.float32),
                jax.ShapeDtypeStruct((KNN, N), jnp.int32),
            ],
        )(x[bb:bb + 1], post_all[bb:bb + 1], fc0a_w, r2(fc0a_b), fc0b_w,
          r2(fc0b_b), fc1_w, r2(fc1_b), mq)
        qs.append(q)
        tbls.append(tbl)
        idxs.append(gidx.reshape(e_total))

    g3s = [sc_gather(tbls[bb].reshape(N, D_TBL), idxs[bb])
           .reshape(KNN, N, D_TBL) for bb in range(B)]

    outs = []
    for bb in range(B):
        out_b = pl.pallas_call(
            _stage_c_body,
            grid=(1, nb_c),
            in_specs=[
                pl.BlockSpec((KNN, RC, D_TBL), lambda b, i: (0, i, 0)),
                pl.BlockSpec((1, RC, TD), lambda b, i: (b, i, 0)),
                pl.BlockSpec((1, RC, D_TBL), lambda b, i: (b, i, 0)),
                full(mk), full(r2(cc)), full(mv), full(r2(cv)),
                full(d1_w), full(r2(d1_b)), full(d2_w), full(r2(d2_b)),
                full(d2g), full(g2s), full(r2(g2bs)),
                full(fc2_w), full(r2(fc2_b)),
            ],
            out_specs=pl.BlockSpec((1, RC, HID), lambda b, i: (b, i, 0)),
            out_shape=jax.ShapeDtypeStruct((1, N, HID), jnp.float32),
        )(g3s[bb], qs[bb], tbls[bb], mk, r2(cc), mv, r2(cv), d1_w,
          r2(d1_b), d2_w, r2(d2_b), d2g, g2s, r2(g2bs),
          fc2_w, r2(fc2_b))
        outs.append(out_b)

    return jnp.concatenate(outs, axis=0)

# --- scband reference (transcript-rebuilt; emitter-appended) ---
"""Pipeline reference for scband-point-transformer-76596446757373 (READ-ONLY COPY).

The authoritative reference and input builder live on the scoring server;
editing this copy changes nothing except your own understanding.
"""

import jax, jax.numpy as jnp
import numpy as np

B, N, K = 2, 2048, 16
FEAT, HID, TD = 16, 64, 256


def _lin(key, shape):
    return jax.random.normal(key, shape, dtype=jnp.float32) * (1.0 / np.sqrt(shape[0]))


def setup_inputs(seed: int = 0):
    key = jax.random.key(seed)
    ks = jax.random.split(key, 16)
    inp = {}
    inp['x'] = jax.random.normal(ks[0], (B, N, 3 + FEAT), dtype=jnp.float32)
    inp['fc0a_w'] = _lin(ks[1], (FEAT, HID)); inp['fc0a_b'] = jnp.zeros((HID,), jnp.float32)
    inp['fc0b_w'] = _lin(ks[2], (HID, HID)); inp['fc0b_b'] = jnp.zeros((HID,), jnp.float32)
    inp['fc1_w'] = _lin(ks[3], (HID, TD)); inp['fc1_b'] = jnp.zeros((TD,), jnp.float32)
    inp['fc2_w'] = _lin(ks[4], (TD, HID)); inp['fc2_b'] = jnp.zeros((HID,), jnp.float32)
    inp['d1_w'] = _lin(ks[5], (3, TD)); inp['d1_b'] = jnp.zeros((TD,), jnp.float32)
    inp['d2_w'] = _lin(ks[6], (TD, TD)); inp['d2_b'] = jnp.zeros((TD,), jnp.float32)
    inp['g1_w'] = _lin(ks[7], (TD, TD)); inp['g1_b'] = jnp.zeros((TD,), jnp.float32)
    inp['g2_w'] = _lin(ks[8], (TD, TD)); inp['g2_b'] = jnp.zeros((TD,), jnp.float32)
    inp['wq'] = _lin(ks[9], (TD, TD))
    inp['wk'] = _lin(ks[10], (TD, TD))
    inp['wv'] = _lin(ks[11], (TD, TD))
    return inp


def square_distance(src, dst):
    return (jnp.sum(src ** 2, -1)[:, :, None]
            + jnp.sum(dst ** 2, -1)[:, None, :]
            - 2.0 * jnp.einsum('bnc,bmc->bnm', src, dst))


def index_points(points, idx):
    b = jnp.arange(points.shape[0])[:, None, None]
    return points[b, idx]


def reference(x, fc0a_w, fc0a_b, fc0b_w, fc0b_b, fc1_w, fc1_b, fc2_w, fc2_b,
              d1_w, d1_b, d2_w, d2_b, g1_w, g1_b, g2_w, g2_b, wq, wk, wv):
    pos = x[:, :, :3]
    feat = x[:, :, 3:]
    # input MLP (fc)
    h = jax.nn.relu(feat @ fc0a_w + fc0a_b) @ fc0b_w + fc0b_b
    # PointTransformerBlock
    dists = square_distance(pos, pos)
    knn_idx = jnp.argsort(dists, axis=-1)[:, :, :K]
    knn_pos = index_points(pos, knn_idx)
    h1 = h @ fc1_w + fc1_b
    q = h1 @ wq
    k_g = index_points(h1 @ wk, knn_idx)
    v_g = index_points(h1 @ wv, knn_idx)
    pe_in = pos[:, :, None, :] - knn_pos
    pos_enc = jax.nn.relu(pe_in @ d1_w + d1_b) @ d2_w + d2_b
    a_in = q[:, :, None, :] - k_g + pos_enc
    attn = jax.nn.relu(a_in @ g1_w + g1_b) @ g2_w + g2_b
    attn = jax.nn.softmax(attn / np.sqrt(TD), axis=-2)
    res = jnp.einsum('bmnf,bmnf->bmf', attn, v_g + pos_enc)
    res = res @ fc2_w + fc2_b + h
    return res

if __name__ == "__main__":
    import jax
    _d = setup_inputs()
    print(jax.jit(kernel)(*tuple(_d.values())))

</pallas_src>

<mosaic_0001>
#map = affine_map<(d0, d1) -> (0, 0)>
#map1 = affine_map<(d0, d1) -> (0)>
module attributes {stable_mosaic.version = 14 : i64} {
  func.func @sc_gather(%arg0: i32, %arg1: i32, %arg2: memref<2048x128xf32, #tpu.memory_space<hbm>>, %arg3: memref<32768xi32, #tpu.memory_space<hbm>>, %arg4: memref<32768x128xf32, #tpu.memory_space<hbm>>, %arg5: memref<256xi32, #tpu.memory_space<vmem>>, %arg6: memref<256xi32, #tpu.memory_space<vmem>>, %arg7: memref<2x256x128xf32, #tpu.memory_space<vmem>>, %arg8: memref<!tpu.dma_semaphore, #tpu.memory_space<semaphore_mem>>, %arg9: memref<!tpu.dma_semaphore, #tpu.memory_space<semaphore_mem>>, %arg10: memref<!tpu.dma_semaphore, #tpu.memory_space<semaphore_mem>>, %arg11: memref<!tpu.dma_semaphore, #tpu.memory_space<semaphore_mem>>, %arg12: memref<!tpu.dma_semaphore, #tpu.memory_space<semaphore_mem>>, %arg13: memref<!tpu.dma_semaphore, #tpu.memory_space<semaphore_mem>>) attributes {dimension_semantics = [#tpu.dimension_semantics<core_parallel>, #tpu.dimension_semantics<subcore_parallel>], iteration_bounds = array<i64: 2, 16>, scalar_prefetch = 0 : i64, scratch_operands = 9 : i64, tpu.core_type = #tpu.core_type<sc_vector_subcore>, window_params = [{transform_indices = #map}, {transform_indices = #map1}, {transform_indices = #map}]} {
    %mul3A = arith.constant 2 : i32
    %mul3A_0 = arith.muli %arg1, %mul3A : i32
    %add3A = arith.addi %mul3A_0, %arg0 : i32
    %mul3A_1 = arith.constant 1024 : i32
    %mul3A_2 = arith.muli %add3A, %mul3A_1 : i32
    %dma_start3A = tpu.memref_slice %arg3[%mul3A_2] : memref<32768xi32, #tpu.memory_space<hbm>> -> memref<256xi32, #tpu.memory_space<hbm>>
    %dma_start3A_3 = tpu.memref_slice %arg3[%mul3A_2] : memref<32768xi32, #tpu.memory_space<hbm>> -> memref<256xi32, #tpu.memory_space<hbm>>
    tpu.enqueue_dma source(%dma_start3A_3 : memref<256xi32, #tpu.memory_space<hbm>>) target(%arg5 : memref<256xi32, #tpu.memory_space<vmem>>) target_semaphore(%arg8 : memref<!tpu.dma_semaphore, #tpu.memory_space<semaphore_mem>>)
    %add3A_4 = arith.constant 256 : i32
    %add3A_5 = arith.addi %mul3A_2, %add3A_4 : i32
    %dma_start3A_6 = tpu.memref_slice %arg3[%add3A_5] : memref<32768xi32, #tpu.memory_space<hbm>> -> memref<256xi32, #tpu.memory_space<hbm>>
    %dma_start3A_7 = tpu.memref_slice %arg3[%add3A_5] : memref<32768xi32, #tpu.memory_space<hbm>> -> memref<256xi32, #tpu.memory_space<hbm>>
    tpu.enqueue_dma source(%dma_start3A_7 : memref<256xi32, #tpu.memory_space<hbm>>) target(%arg6 : memref<256xi32, #tpu.memory_space<vmem>>) target_semaphore(%arg9 : memref<!tpu.dma_semaphore, #tpu.memory_space<semaphore_mem>>)
    %dma_wait3A = tpu.memref_slice %arg3[%mul3A_2] : memref<32768xi32, #tpu.memory_space<hbm>> -> memref<256xi32, #tpu.memory_space<hbm>>
    %dma_wait3A_8 = tpu.memref_slice %arg3[%mul3A_2] : memref<32768xi32, #tpu.memory_space<hbm>> -> memref<256xi32, #tpu.memory_space<hbm>>
    tpu.wait_dma2 semaphore(%arg8 : memref<!tpu.dma_semaphore, #tpu.memory_space<semaphore_mem>>) src(%dma_wait3A_8 : memref<256xi32, #tpu.memory_space<hbm>>) dst(%arg5 : memref<256xi32, #tpu.memory_space<vmem>>)
    %dma_start3A_9 = arith.constant 0 : i32
    %dma_start3A_10 = arith.constant 0 : i32
    %dma_start3A_11 = arith.constant 0 : i32
    %dma_start3A_12 = tpu.memref_slice %arg7[%dma_start3A_9, %dma_start3A_10, %dma_start3A_11] : memref<2x256x128xf32, #tpu.memory_space<vmem>> -> memref<1x256x128xf32, #tpu.memory_space<vmem>>
    %dma_start3A_13 = tpu.memref_squeeze %dma_start3A_12 : memref<1x256x128xf32, #tpu.memory_space<vmem>> -> memref<256x128xf32, #tpu.memory_space<vmem>>
    %dma_start3A_14 = arith.constant 0 : i32
    %dma_start3A_15 = arith.constant 0 : i32
    %dma_start3A_16 = tpu.memref_slice %arg2[%dma_start3A_14, %dma_start3A_15] : memref<2048x128xf32, #tpu.memory_space<hbm>> -> memref<2048x128xf32, #tpu.memory_space<hbm>>
    tpu.enqueue_indirect_dma source(%dma_start3A_16 : memref<2048x128xf32, #tpu.memory_space<hbm>>) target(%dma_start3A_13 : memref<256x128xf32, #tpu.memory_space<vmem>>) offsets(%arg5 : memref<256xi32, #tpu.memory_space<vmem>>) semaphore(%arg10 : memref<!tpu.dma_semaphore, #tpu.memory_space<semaphore_mem>>)
    %dma_wait3A_17 = tpu.memref_slice %arg3[%add3A_5] : memref<32768xi32, #tpu.memory_space<hbm>> -> memref<256xi32, #tpu.memory_space<hbm>>
    %dma_wait3A_18 = tpu.memref_slice %arg3[%add3A_5] : memref<32768xi32, #tpu.memory_space<hbm>> -> memref<256xi32, #tpu.memory_space<hbm>>
    tpu.wait_dma2 semaphore(%arg9 : memref<!tpu.dma_semaphore, #tpu.memory_space<semaphore_mem>>) src(%dma_wait3A_18 : memref<256xi32, #tpu.memory_space<hbm>>) dst(%arg6 : memref<256xi32, #tpu.memory_space<vmem>>)
    %dma_start3A_19 = arith.constant 1 : i32
    %dma_start3A_20 = arith.constant 0 : i32
    %dma_start3A_21 = arith.constant 0 : i32
    %dma_start3A_22 = tpu.memref_slice %arg7[%dma_start3A_19, %dma_start3A_20, %dma_start3A_21] : memref<2x256x128xf32, #tpu.memory_space<vmem>> -> memref<1x256x128xf32, #tpu.memory_space<vmem>>
    %dma_start3A_23 = tpu.memref_squeeze %dma_start3A_22 : memref<1x256x128xf32, #tpu.memory_space<vmem>> -> memref<256x128xf32, #tpu.memory_space<vmem>>
    %dma_start3A_24 = arith.constant 0 : i32
    %dma_start3A_25 = arith.constant 0 : i32
    %dma_start3A_26 = tpu.memref_slice %arg2[%dma_start3A_24, %dma_start3A_25] : memref<2048x128xf32, #tpu.memory_space<hbm>> -> memref<2048x128xf32, #tpu.memory_space<hbm>>
    tpu.enqueue_indirect_dma source(%dma_start3A_26 : memref<2048x128xf32, #tpu.memory_space<hbm>>) target(%dma_start3A_23 : memref<256x128xf32, #tpu.memory_space<vmem>>) offsets(%arg6 : memref<256xi32, #tpu.memory_space<vmem>>) semaphore(%arg11 : memref<!tpu.dma_semaphore, #tpu.memory_space<semaphore_mem>>)
    %dma_wait3A_27 = arith.constant 0 : i32
    %dma_wait3A_28 = arith.constant 0 : i32
    %dma_wait3A_29 = arith.constant 0 : i32
    %dma_wait3A_30 = tpu.memref_slice %arg7[%dma_wait3A_27, %dma_wait3A_28, %dma_wait3A_29] : memref<2x256x128xf32, #tpu.memory_space<vmem>> -> memref<1x256x128xf32, #tpu.memory_space<vmem>>
    %dma_wait3A_31 = tpu.memref_squeeze %dma_wait3A_30 : memref<1x256x128xf32, #tpu.memory_space<vmem>> -> memref<256x128xf32, #tpu.memory_space<vmem>>
    %dma_wait3A_32 = arith.constant 0 : i32
    %dma_wait3A_33 = arith.constant 0 : i32
    %dma_wait3A_34 = tpu.memref_slice %arg2[%dma_wait3A_32, %dma_wait3A_33] : memref<2048x128xf32, #tpu.memory_space<hbm>> -> memref<2048x128xf32, #tpu.memory_space<hbm>>
    tpu.wait_indirect_dma semaphore(%arg10 : memref<!tpu.dma_semaphore, #tpu.memory_space<semaphore_mem>>) src(%dma_wait3A_34 : memref<2048x128xf32, #tpu.memory_space<hbm>>) dst(%dma_wait3A_31 : memref<256x128xf32, #tpu.memory_space<vmem>>)
    %add3A_35 = arith.constant 0 : i32
    %add3A_36 = arith.addi %mul3A_2, %add3A_35 : i32
    %dma_start3A_37 = arith.constant 0 : i32
    %dma_start3A_38 = arith.constant 0 : i32
    %dma_start3A_39 = arith.constant 0 : i32
    %dma_start3A_40 = tpu.memref_slice %arg7[%dma_start3A_37, %dma_start3A_38, %dma_start3A_39] : memref<2x256x128xf32, #tpu.memory_space<vmem>> -> memref<1x256x128xf32, #tpu.memory_space<vmem>>
    %dma_start3A_41 = tpu.memref_squeeze %dma_start3A_40 : memref<1x256x128xf32, #tpu.memory_space<vmem>> -> memref<256x128xf32, #tpu.memory_space<vmem>>
    %dma_start3A_42 = arith.constant 0 : i32
    %dma_start3A_43 = tpu.memref_slice %arg4[%add3A_36, %dma_start3A_42] : memref<32768x128xf32, #tpu.memory_space<hbm>> -> memref<256x128xf32, #tpu.memory_space<hbm>>
    %dma_start3A_44 = arith.constant 0 : i32
    %dma_start3A_45 = tpu.memref_slice %arg4[%add3A_36, %dma_start3A_44] : memref<32768x128xf32, #tpu.memory_space<hbm>> -> memref<256x128xf32, #tpu.memory_space<hbm>>
    %dma_start3A_46 = arith.constant 0 : i32
    %dma_start3A_47 = arith.constant 0 : i32
    %dma_start3A_48 = tpu.memref_slice %arg7[%dma_start3A_37, %dma_start3A_46, %dma_start3A_47] : memref<2x256x128xf32, #tpu.memory_space<vmem>> -> memref<1x256x128xf32, #tpu.memory_space<vmem>>
    %dma_start3A_49 = tpu.memref_squeeze %dma_start3A_48 : memref<1x256x128xf32, #tpu.memory_space<vmem>> -> memref<256x128xf32, #tpu.memory_space<vmem>>
    tpu.enqueue_dma source(%dma_start3A_49 : memref<256x128xf32, #tpu.memory_space<vmem>>) target(%dma_start3A_45 : memref<256x128xf32, #tpu.memory_space<hbm>>) target_semaphore(%arg12 : memref<!tpu.dma_semaphore, #tpu.memory_space<semaphore_mem>>)
    %add3A_50 = arith.constant 512 : i32
    %add3A_51 = arith.addi %mul3A_2, %add3A_50 : i32
    %dma_start3A_52 = tpu.memref_slice %arg3[%add3A_51] : memref<32768xi32, #tpu.memory_space<hbm>> -> memref<256xi32, #tpu.memory_space<hbm>>
    %dma_start3A_53 = tpu.memref_slice %arg3[%add3A_51] : memref<32768xi32, #tpu.memory_space<hbm>> -> memref<256xi32, #tpu.memory_space<hbm>>
    tpu.enqueue_dma source(%dma_start3A_53 : memref<256xi32, #tpu.memory_space<hbm>>) target(%arg5 : memref<256xi32, #tpu.memory_space<vmem>>) target_semaphore(%arg8 : memref<!tpu.dma_semaphore, #tpu.memory_space<semaphore_mem>>)
    %dma_wait3A_54 = arith.constant 0 : i32
    %dma_wait3A_55 = arith.constant 0 : i32
    %dma_wait3A_56 = arith.constant 0 : i32
    %dma_wait3A_57 = tpu.memref_slice %arg7[%dma_wait3A_54, %dma_wait3A_55, %dma_wait3A_56] : memref<2x256x128xf32, #tpu.memory_space<vmem>> -> memref<1x256x128xf32, #tpu.memory_space<vmem>>
    %dma_wait3A_58 = tpu.memref_squeeze %dma_wait3A_57 : memref<1x256x128xf32, #tpu.memory_space<vmem>> -> memref<256x128xf32, #tpu.memory_space<vmem>>
    %dma_wait3A_59 = arith.constant 0 : i32
    %dma_wait3A_60 = tpu.memref_slice %arg4[%add3A_36, %dma_wait3A_59] : memref<32768x128xf32, #tpu.memory_space<hbm>> -> memref<256x128xf32, #tpu.memory_space<hbm>>
    %dma_wait3A_61 = arith.constant 0 : i32
    %dma_wait3A_62 = tpu.memref_slice %arg4[%add3A_36, %dma_wait3A_61] : memref<32768x128xf32, #tpu.memory_space<hbm>> -> memref<256x128xf32, #tpu.memory_space<hbm>>
    %dma_wait3A_63 = arith.constant 0 : i32
    %dma_wait3A_64 = arith.constant 0 : i32
    %dma_wait3A_65 = tpu.memref_slice %arg7[%dma_wait3A_54, %dma_wait3A_63, %dma_wait3A_64] : memref<2x256x128xf32, #tpu.memory_space<vmem>> -> memref<1x256x128xf32, #tpu.memory_space<vmem>>
    %dma_wait3A_66 = tpu.memref_squeeze %dma_wait3A_65 : memref<1x256x128xf32, #tpu.memory_space<vmem>> -> memref<256x128xf32, #tpu.memory_space<vmem>>
    tpu.wait_dma2 semaphore(%arg12 : memref<!tpu.dma_semaphore, #tpu.memory_space<semaphore_mem>>) src(%dma_wait3A_66 : memref<256x128xf32, #tpu.memory_space<vmem>>) dst(%dma_wait3A_62 : memref<256x128xf32, #tpu.memory_space<hbm>>)
    %dma_wait3A_67 = tpu.memref_slice %arg3[%add3A_51] : memref<32768xi32, #tpu.memory_space<hbm>> -> memref<256xi32, #tpu.memory_space<hbm>>
    %dma_wait3A_68 = tpu.memref_slice %arg3[%add3A_51] : memref<32768xi32, #tpu.memory_space<hbm>> -> memref<256xi32, #tpu.memory_space<hbm>>
    tpu.wait_dma2 semaphore(%arg8 : memref<!tpu.dma_semaphore, #tpu.memory_space<semaphore_mem>>) src(%dma_wait3A_68 : memref<256xi32, #tpu.memory_space<hbm>>) dst(%arg5 : memref<256xi32, #tpu.memory_space<vmem>>)
    %dma_start3A_69 = arith.constant 0 : i32
    %dma_start3A_70 = arith.constant 0 : i32
    %dma_start3A_71 = arith.constant 0 : i32
    %dma_start3A_72 = tpu.memref_slice %arg7[%dma_start3A_69, %dma_start3A_70, %dma_start3A_71] : memref<2x256x128xf32, #tpu.memory_space<vmem>> -> memref<1x256x128xf32, #tpu.memory_space<vmem>>
    %dma_start3A_73 = tpu.memref_squeeze %dma_start3A_72 : memref<1x256x128xf32, #tpu.memory_space<vmem>> -> memref<256x128xf32, #tpu.memory_space<vmem>>
    %dma_start3A_74 = arith.constant 0 : i32
    %dma_start3A_75 = arith.constant 0 : i32
    %dma_start3A_76 = tpu.memref_slice %arg2[%dma_start3A_74, %dma_start3A_75] : memref<2048x128xf32, #tpu.memory_space<hbm>> -> memref<2048x128xf32, #tpu.memory_space<hbm>>
    tpu.enqueue_indirect_dma source(%dma_start3A_76 : memref<2048x128xf32, #tpu.memory_space<hbm>>) target(%dma_start3A_73 : memref<256x128xf32, #tpu.memory_space<vmem>>) offsets(%arg5 : memref<256xi32, #tpu.memory_space<vmem>>) semaphore(%arg10 : memref<!tpu.dma_semaphore, #tpu.memory_space<semaphore_mem>>)
    %dma_wait3A_77 = arith.constant 1 : i32
    %dma_wait3A_78 = arith.constant 0 : i32
    %dma_wait3A_79 = arith.constant 0 : i32
    %dma_wait3A_80 = tpu.memref_slice %arg7[%dma_wait3A_77, %dma_wait3A_78, %dma_wait3A_79] : memref<2x256x128xf32, #tpu.memory_space<vmem>> -> memref<1x256x128xf32, #tpu.memory_space<vmem>>
    %dma_wait3A_81 = tpu.memref_squeeze %dma_wait3A_80 : memref<1x256x128xf32, #tpu.memory_space<vmem>> -> memref<256x128xf32, #tpu.memory_space<vmem>>
    %dma_wait3A_82 = arith.constant 0 : i32
    %dma_wait3A_83 = arith.constant 0 : i32
    %dma_wait3A_84 = tpu.memref_slice %arg2[%dma_wait3A_82, %dma_wait3A_83] : memref<2048x128xf32, #tpu.memory_space<hbm>> -> memref<2048x128xf32, #tpu.memory_space<hbm>>
    tpu.wait_indirect_dma semaphore(%arg11 : memref<!tpu.dma_semaphore, #tpu.memory_space<semaphore_mem>>) src(%dma_wait3A_84 : memref<2048x128xf32, #tpu.memory_space<hbm>>) dst(%dma_wait3A_81 : memref<256x128xf32, #tpu.memory_space<vmem>>)
    %add3A_85 = arith.constant 256 : i32
    %add3A_86 = arith.addi %mul3A_2, %add3A_85 : i32
    %dma_start3A_87 = arith.constant 1 : i32
    %dma_start3A_88 = arith.constant 0 : i32
    %dma_start3A_89 = arith.constant 0 : i32
    %dma_start3A_90 = tpu.memref_slice %arg7[%dma_start3A_87, %dma_start3A_88, %dma_start3A_89] : memref<2x256x128xf32, #tpu.memory_space<vmem>> -> memref<1x256x128xf32, #tpu.memory_space<vmem>>
    %dma_start3A_91 = tpu.memref_squeeze %dma_start3A_90 : memref<1x256x128xf32, #tpu.memory_space<vmem>> -> memref<256x128xf32, #tpu.memory_space<vmem>>
    %dma_start3A_92 = arith.constant 0 : i32
    %dma_start3A_93 = tpu.memref_slice %arg4[%add3A_86, %dma_start3A_92] : memref<32768x128xf32, #tpu.memory_space<hbm>> -> memref<256x128xf32, #tpu.memory_space<hbm>>
    %dma_start3A_94 = arith.constant 0 : i32
    %dma_start3A_95 = tpu.memref_slice %arg4[%add3A_86, %dma_start3A_94] : memref<32768x128xf32, #tpu.memory_space<hbm>> -> memref<256x128xf32, #tpu.memory_space<hbm>>
    %dma_start3A_96 = arith.constant 0 : i32
    %dma_start3A_97 = arith.constant 0 : i32
    %dma_start3A_98 = tpu.memref_slice %arg7[%dma_start3A_87, %dma_start3A_96, %dma_start3A_97] : memref<2x256x128xf32, #tpu.memory_space<vmem>> -> memref<1x256x128xf32, #tpu.memory_space<vmem>>
    %dma_start3A_99 = tpu.memref_squeeze %dma_start3A_98 : memref<1x256x128xf32, #tpu.memory_space<vmem>> -> memref<256x128xf32, #tpu.memory_space<vmem>>
    tpu.enqueue_dma source(%dma_start3A_99 : memref<256x128xf32, #tpu.memory_space<vmem>>) target(%dma_start3A_95 : memref<256x128xf32, #tpu.memory_space<hbm>>) target_semaphore(%arg13 : memref<!tpu.dma_semaphore, #tpu.memory_space<semaphore_mem>>)
    %add3A_100 = arith.constant 768 : i32
    %add3A_101 = arith.addi %mul3A_2, %add3A_100 : i32
    %dma_start3A_102 = tpu.memref_slice %arg3[%add3A_101] : memref<32768xi32, #tpu.memory_space<hbm>> -> memref<256xi32, #tpu.memory_space<hbm>>
    %dma_start3A_103 = tpu.memref_slice %arg3[%add3A_101] : memref<32768xi32, #tpu.memory_space<hbm>> -> memref<256xi32, #tpu.memory_space<hbm>>
    tpu.enqueue_dma source(%dma_start3A_103 : memref<256xi32, #tpu.memory_space<hbm>>) target(%arg6 : memref<256xi32, #tpu.memory_space<vmem>>) target_semaphore(%arg9 : memref<!tpu.dma_semaphore, #tpu.memory_space<semaphore_mem>>)
    %dma_wait3A_104 = arith.constant 1 : i32
    %dma_wait3A_105 = arith.constant 0 : i32
    %dma_wait3A_106 = arith.constant 0 : i32
    %dma_wait3A_107 = tpu.memref_slice %arg7[%dma_wait3A_104, %dma_wait3A_105, %dma_wait3A_106] : memref<2x256x128xf32, #tpu.memory_space<vmem>> -> memref<1x256x128xf32, #tpu.memory_space<vmem>>
    %dma_wait3A_108 = tpu.memref_squeeze %dma_wait3A_107 : memref<1x256x128xf32, #tpu.memory_space<vmem>> -> memref<256x128xf32, #tpu.memory_space<vmem>>
    %dma_wait3A_109 = arith.constant 0 : i32
    %dma_wait3A_110 = tpu.memref_slice %arg4[%add3A_86, %dma_wait3A_109] : memref<32768x128xf32, #tpu.memory_space<hbm>> -> memref<256x128xf32, #tpu.memory_space<hbm>>
    %dma_wait3A_111 = arith.constant 0 : i32
    %dma_wait3A_112 = tpu.memref_slice %arg4[%add3A_86, %dma_wait3A_111] : memref<32768x128xf32, #tpu.memory_space<hbm>> -> memref<256x128xf32, #tpu.memory_space<hbm>>
    %dma_wait3A_113 = arith.constant 0 : i32
    %dma_wait3A_114 = arith.constant 0 : i32
    %dma_wait3A_115 = tpu.memref_slice %arg7[%dma_wait3A_104, %dma_wait3A_113, %dma_wait3A_114] : memref<2x256x128xf32, #tpu.memory_space<vmem>> -> memref<1x256x128xf32, #tpu.memory_space<vmem>>
    %dma_wait3A_116 = tpu.memref_squeeze %dma_wait3A_115 : memref<1x256x128xf32, #tpu.memory_space<vmem>> -> memref<256x128xf32, #tpu.memory_space<vmem>>
    tpu.wait_dma2 semaphore(%arg13 : memref<!tpu.dma_semaphore, #tpu.memory_space<semaphore_mem>>) src(%dma_wait3A_116 : memref<256x128xf32, #tpu.memory_space<vmem>>) dst(%dma_wait3A_112 : memref<256x128xf32, #tpu.memory_space<hbm>>)
    %dma_wait3A_117 = tpu.memref_slice %arg3[%add3A_101] : memref<32768xi32, #tpu.memory_space<hbm>> -> memref<256xi32, #tpu.memory_space<hbm>>
    %dma_wait3A_118 = tpu.memref_slice %arg3[%add3A_101] : memref<32768xi32, #tpu.memory_space<hbm>> -> memref<256xi32, #tpu.memory_space<hbm>>
    tpu.wait_dma2 semaphore(%arg9 : memref<!tpu.dma_semaphore, #tpu.memory_space<semaphore_mem>>) src(%dma_wait3A_118 : memref<256xi32, #tpu.memory_space<hbm>>) dst(%arg6 : memref<256xi32, #tpu.memory_space<vmem>>)
    %dma_start3A_119 = arith.constant 1 : i32
    %dma_start3A_120 = arith.constant 0 : i32
    %dma_start3A_121 = arith.constant 0 : i32
    %dma_start3A_122 = tpu.memref_slice %arg7[%dma_start3A_119, %dma_start3A_120, %dma_start3A_121] : memref<2x256x128xf32, #tpu.memory_space<vmem>> -> memref<1x256x128xf32, #tpu.memory_space<vmem>>
    %dma_start3A_123 = tpu.memref_squeeze %dma_start3A_122 : memref<1x256x128xf32, #tpu.memory_space<vmem>> -> memref<256x128xf32, #tpu.memory_space<vmem>>
    %dma_start3A_124 = arith.constant 0 : i32
    %dma_start3A_125 = arith.constant 0 : i32
    %dma_start3A_126 = tpu.memref_slice %arg2[%dma_start3A_124, %dma_start3A_125] : memref<2048x128xf32, #tpu.memory_space<hbm>> -> memref<2048x128xf32, #tpu.memory_space<hbm>>
    tpu.enqueue_indirect_dma source(%dma_start3A_126 : memref<2048x128xf32, #tpu.memory_space<hbm>>) target(%dma_start3A_123 : memref<256x128xf32, #tpu.memory_space<vmem>>) offsets(%arg6 : memref<256xi32, #tpu.memory_space<vmem>>) semaphore(%arg11 : memref<!tpu.dma_semaphore, #tpu.memory_space<semaphore_mem>>)
    %dma_wait3A_127 = arith.constant 0 : i32
    %dma_wait3A_128 = arith.constant 0 : i32
    %dma_wait3A_129 = arith.constant 0 : i32
    %dma_wait3A_130 = tpu.memref_slice %arg7[%dma_wait3A_127, %dma_wait3A_128, %dma_wait3A_129] : memref<2x256x128xf32, #tpu.memory_space<vmem>> -> memref<1x256x128xf32, #tpu.memory_space<vmem>>
    %dma_wait3A_131 = tpu.memref_squeeze %dma_wait3A_130 : memref<1x256x128xf32, #tpu.memory_space<vmem>> -> memref<256x128xf32, #tpu.memory_space<vmem>>
    %dma_wait3A_132 = arith.constant 0 : i32
    %dma_wait3A_133 = arith.constant 0 : i32
    %dma_wait3A_134 = tpu.memref_slice %arg2[%dma_wait3A_132, %dma_wait3A_133] : memref<2048x128xf32, #tpu.memory_space<hbm>> -> memref<2048x128xf32, #tpu.memory_space<hbm>>
    tpu.wait_indirect_dma semaphore(%arg10 : memref<!tpu.dma_semaphore, #tpu.memory_space<semaphore_mem>>) src(%dma_wait3A_134 : memref<2048x128xf32, #tpu.memory_space<hbm>>) dst(%dma_wait3A_131 : memref<256x128xf32, #tpu.memory_space<vmem>>)
    %add3A_135 = arith.constant 512 : i32
    %add3A_136 = arith.addi %mul3A_2, %add3A_135 : i32
    %dma_start3A_137 = arith.constant 0 : i32
    %dma_start3A_138 = arith.constant 0 : i32
    %dma_start3A_139 = arith.constant 0 : i32
    %dma_start3A_140 = tpu.memref_slice %arg7[%dma_start3A_137, %dma_start3A_138, %dma_start3A_139] : memref<2x256x128xf32, #tpu.memory_space<vmem>> -> memref<1x256x128xf32, #tpu.memory_space<vmem>>
    %dma_start3A_141 = tpu.memref_squeeze %dma_start3A_140 : memref<1x256x128xf32, #tpu.memory_space<vmem>> -> memref<256x128xf32, #tpu.memory_space<vmem>>
    %dma_start3A_142 = arith.constant 0 : i32
    %dma_start3A_143 = tpu.memref_slice %arg4[%add3A_136, %dma_start3A_142] : memref<32768x128xf32, #tpu.memory_space<hbm>> -> memref<256x128xf32, #tpu.memory_space<hbm>>
    %dma_start3A_144 = arith.constant 0 : i32
    %dma_start3A_145 = tpu.memref_slice %arg4[%add3A_136, %dma_start3A_144] : memref<32768x128xf32, #tpu.memory_space<hbm>> -> memref<256x128xf32, #tpu.memory_space<hbm>>
    %dma_start3A_146 = arith.constant 0 : i32
    %dma_start3A_147 = arith.constant 0 : i32
    %dma_start3A_148 = tpu.memref_slice %arg7[%dma_start3A_137, %dma_start3A_146, %dma_start3A_147] : memref<2x256x128xf32, #tpu.memory_space<vmem>> -> memref<1x256x128xf32, #tpu.memory_space<vmem>>
    %dma_start3A_149 = tpu.memref_squeeze %dma_start3A_148 : memref<1x256x128xf32, #tpu.memory_space<vmem>> -> memref<256x128xf32, #tpu.memory_space<vmem>>
    tpu.enqueue_dma source(%dma_start3A_149 : memref<256x128xf32, #tpu.memory_space<vmem>>) target(%dma_start3A_145 : memref<256x128xf32, #tpu.memory_space<hbm>>) target_semaphore(%arg12 : memref<!tpu.dma_semaphore, #tpu.memory_space<semaphore_mem>>)
    %dma_wait3A_150 = arith.constant 1 : i32
    %dma_wait3A_151 = arith.constant 0 : i32
    %dma_wait3A_152 = arith.constant 0 : i32
    %dma_wait3A_153 = tpu.memref_slice %arg7[%dma_wait3A_150, %dma_wait3A_151, %dma_wait3A_152] : memref<2x256x128xf32, #tpu.memory_space<vmem>> -> memref<1x256x128xf32, #tpu.memory_space<vmem>>
    %dma_wait3A_154 = tpu.memref_squeeze %dma_wait3A_153 : memref<1x256x128xf32, #tpu.memory_space<vmem>> -> memref<256x128xf32, #tpu.memory_space<vmem>>
    %dma_wait3A_155 = arith.constant 0 : i32
    %dma_wait3A_156 = arith.constant 0 : i32
    %dma_wait3A_157 = tpu.memref_slice %arg2[%dma_wait3A_155, %dma_wait3A_156] : memref<2048x128xf32, #tpu.memory_space<hbm>> -> memref<2048x128xf32, #tpu.memory_space<hbm>>
    tpu.wait_indirect_dma semaphore(%arg11 : memref<!tpu.dma_semaphore, #tpu.memory_space<semaphore_mem>>) src(%dma_wait3A_157 : memref<2048x128xf32, #tpu.memory_space<hbm>>) dst(%dma_wait3A_154 : memref<256x128xf32, #tpu.memory_space<vmem>>)
    %add3A_158 = arith.constant 768 : i32
    %add3A_159 = arith.addi %mul3A_2, %add3A_158 : i32
    %dma_start3A_160 = arith.constant 1 : i32
    %dma_start3A_161 = arith.constant 0 : i32
    %dma_start3A_162 = arith.constant 0 : i32
    %dma_start3A_163 = tpu.memref_slice %arg7[%dma_start3A_160, %dma_start3A_161, %dma_start3A_162] : memref<2x256x128xf32, #tpu.memory_space<vmem>> -> memref<1x256x128xf32, #tpu.memory_space<vmem>>
    %dma_start3A_164 = tpu.memref_squeeze %dma_start3A_163 : memref<1x256x128xf32, #tpu.memory_space<vmem>> -> memref<256x128xf32, #tpu.memory_space<vmem>>
    %dma_start3A_165 = arith.constant 0 : i32
    %dma_start3A_166 = tpu.memref_slice %arg4[%add3A_159, %dma_start3A_165] : memref<32768x128xf32, #tpu.memory_space<hbm>> -> memref<256x128xf32, #tpu.memory_space<hbm>>
    %dma_start3A_167 = arith.constant 0 : i32
    %dma_start3A_168 = tpu.memref_slice %arg4[%add3A_159, %dma_start3A_167] : memref<32768x128xf32, #tpu.memory_space<hbm>> -> memref<256x128xf32, #tpu.memory_space<hbm>>
    %dma_start3A_169 = arith.constant 0 : i32
    %dma_start3A_170 = arith.constant 0 : i32
    %dma_start3A_171 = tpu.memref_slice %arg7[%dma_start3A_160, %dma_start3A_169, %dma_start3A_170] : memref<2x256x128xf32, #tpu.memory_space<vmem>> -> memref<1x256x128xf32, #tpu.memory_space<vmem>>
    %dma_start3A_172 = tpu.memref_squeeze %dma_start3A_171 : memref<1x256x128xf32, #tpu.memory_space<vmem>> -> memref<256x128xf32, #tpu.memory_space<vmem>>
    tpu.enqueue_dma source(%dma_start3A_172 : memref<256x128xf32, #tpu.memory_space<vmem>>) target(%dma_start3A_168 : memref<256x128xf32, #tpu.memory_space<hbm>>) target_semaphore(%arg13 : memref<!tpu.dma_semaphore, #tpu.memory_space<semaphore_mem>>)
    %dma_wait3A_173 = arith.constant 0 : i32
    %dma_wait3A_174 = arith.constant 0 : i32
    %dma_wait3A_175 = arith.constant 0 : i32
    %dma_wait3A_176 = tpu.memref_slice %arg7[%dma_wait3A_173, %dma_wait3A_174, %dma_wait3A_175] : memref<2x256x128xf32, #tpu.memory_space<vmem>> -> memref<1x256x128xf32, #tpu.memory_space<vmem>>
    %dma_wait3A_177 = tpu.memref_squeeze %dma_wait3A_176 : memref<1x256x128xf32, #tpu.memory_space<vmem>> -> memref<256x128xf32, #tpu.memory_space<vmem>>
    %dma_wait3A_178 = arith.constant 0 : i32
    %dma_wait3A_179 = tpu.memref_slice %arg4[%add3A_136, %dma_wait3A_178] : memref<32768x128xf32, #tpu.memory_space<hbm>> -> memref<256x128xf32, #tpu.memory_space<hbm>>
    %dma_wait3A_180 = arith.constant 0 : i32
    %dma_wait3A_181 = tpu.memref_slice %arg4[%add3A_136, %dma_wait3A_180] : memref<32768x128xf32, #tpu.memory_space<hbm>> -> memref<256x128xf32, #tpu.memory_space<hbm>>
    %dma_wait3A_182 = arith.constant 0 : i32
    %dma_wait3A_183 = arith.constant 0 : i32
    %dma_wait3A_184 = tpu.memref_slice %arg7[%dma_wait3A_173, %dma_wait3A_182, %dma_wait3A_183] : memref<2x256x128xf32, #tpu.memory_space<vmem>> -> memref<1x256x128xf32, #tpu.memory_space<vmem>>
    %dma_wait3A_185 = tpu.memref_squeeze %dma_wait3A_184 : memref<1x256x128xf32, #tpu.memory_space<vmem>> -> memref<256x128xf32, #tpu.memory_space<vmem>>
    tpu.wait_dma2 semaphore(%arg12 : memref<!tpu.dma_semaphore, #tpu.memory_space<semaphore_mem>>) src(%dma_wait3A_185 : memref<256x128xf32, #tpu.memory_space<vmem>>) dst(%dma_wait3A_181 : memref<256x128xf32, #tpu.memory_space<hbm>>)
    %dma_wait3A_186 = arith.constant 1 : i32
    %dma_wait3A_187 = arith.constant 0 : i32
    %dma_wait3A_188 = arith.constant 0 : i32
    %dma_wait3A_189 = tpu.memref_slice %arg7[%dma_wait3A_186, %dma_wait3A_187, %dma_wait3A_188] : memref<2x256x128xf32, #tpu.memory_space<vmem>> -> memref<1x256x128xf32, #tpu.memory_space<vmem>>
    %dma_wait3A_190 = tpu.memref_squeeze %dma_wait3A_189 : memref<1x256x128xf32, #tpu.memory_space<vmem>> -> memref<256x128xf32, #tpu.memory_space<vmem>>
    %dma_wait3A_191 = arith.constant 0 : i32
    %dma_wait3A_192 = tpu.memref_slice %arg4[%add3A_159, %dma_wait3A_191] : memref<32768x128xf32, #tpu.memory_space<hbm>> -> memref<256x128xf32, #tpu.memory_space<hbm>>
    %dma_wait3A_193 = arith.constant 0 : i32
    %dma_wait3A_194 = tpu.memref_slice %arg4[%add3A_159, %dma_wait3A_193] : memref<32768x128xf32, #tpu.memory_space<hbm>> -> memref<256x128xf32, #tpu.memory_space<hbm>>
    %dma_wait3A_195 = arith.constant 0 : i32
    %dma_wait3A_196 = arith.constant 0 : i32
    %dma_wait3A_197 = tpu.memref_slice %arg7[%dma_wait3A_186, %dma_wait3A_195, %dma_wait3A_196] : memref<2x256x128xf32, #tpu.memory_space<vmem>> -> memref<1x256x128xf32, #tpu.memory_space<vmem>>
    %dma_wait3A_198 = tpu.memref_squeeze %dma_wait3A_197 : memref<1x256x128xf32, #tpu.memory_space<vmem>> -> memref<256x128xf32, #tpu.memory_space<vmem>>
    tpu.wait_dma2 semaphore(%arg13 : memref<!tpu.dma_semaphore, #tpu.memory_space<semaphore_mem>>) src(%dma_wait3A_198 : memref<256x128xf32, #tpu.memory_space<vmem>>) dst(%dma_wait3A_194 : memref<256x128xf32, #tpu.memory_space<hbm>>)
    return
  }
}

#map = affine_map<(d0, d1) -> (0, 0)>
#map1 = affine_map<(d0, d1) -> (0)>
module attributes {stable_mosaic.version = 14 : i64} {
  func.func @sc_gather(%arg0: i32, %arg1: i32, %arg2: memref<2048x128xf32, #tpu.memory_space<hbm>>, %arg3: memref<32768xi32, #tpu.memory_space<hbm>>, %arg4: memref<32768x128xf32, #tpu.memory_space<hbm>>, %arg5: memref<256xi32, #tpu.memory_space<vmem>>, %arg6: memref<256xi32, #tpu.memory_space<vmem>>, %arg7: memref<2x256x128xf32, #tpu.memory_space<vmem>>, %arg8: memref<!tpu.dma_semaphore, #tpu.memory_space<semaphore_mem>>, %arg9: memref<!tpu.dma_semaphore, #tpu.memory_space<semaphore_mem>>, %arg10: memref<!tpu.dma_semaphore, #tpu.memory_space<semaphore_mem>>, %arg11: memref<!tpu.dma_semaphore, #tpu.memory_space<semaphore_mem>>, %arg12: memref<!tpu.dma_semaphore, #tpu.memory_space<semaphore_mem>>, %arg13: memref<!tpu.dma_semaphore, #tpu.memory_space<semaphore_mem>>) attributes {dimension_semantics = [#tpu.dimension_semantics<core_parallel>, #tpu.dimension_semantics<subcore_parallel>], iteration_bounds = array<i64: 2, 16>, scalar_prefetch = 0 : i64, scratch_operands = 9 : i64, tpu.core_type = #tpu.core_type<sc_vector_subcore>, window_params = [{transform_indices = #map}, {transform_indices = #map1}, {transform_indices = #map}]} {
    %mul3A = arith.constant 2 : i32
    %mul3A_0 = arith.muli %arg1, %mul3A : i32
    %add3A = arith.addi %mul3A_0, %arg0 : i32
    %mul3A_1 = arith.constant 1024 : i32
    %mul3A_2 = arith.muli %add3A, %mul3A_1 : i32
    %dma_start3A = tpu.memref_slice %arg3[%mul3A_2] : memref<32768xi32, #tpu.memory_space<hbm>> -> memref<256xi32, #tpu.memory_space<hbm>>
    %dma_start3A_3 = tpu.memref_slice %arg3[%mul3A_2] : memref<32768xi32, #tpu.memory_space<hbm>> -> memref<256xi32, #tpu.memory_space<hbm>>
    tpu.enqueue_dma source(%dma_start3A_3 : memref<256xi32, #tpu.memory_space<hbm>>) target(%arg5 : memref<256xi32, #tpu.memory_space<vmem>>) target_semaphore(%arg8 : memref<!tpu.dma_semaphore, #tpu.memory_space<semaphore_mem>>)
    %add3A_4 = arith.constant 256 : i32
    %add3A_5 = arith.addi %mul3A_2, %add3A_4 : i32
    %dma_start3A_6 = tpu.memref_slice %arg3[%add3A_5] : memref<32768xi32, #tpu.memory_space<hbm>> -> memref<256xi32, #tpu.memory_space<hbm>>
    %dma_start3A_7 = tpu.memref_slice %arg3[%add3A_5] : memref<32768xi32, #tpu.memory_space<hbm>> -> memref<256xi32, #tpu.memory_space<hbm>>
    tpu.enqueue_dma source(%dma_start3A_7 : memref<256xi32, #tpu.memory_space<hbm>>) target(%arg6 : memref<256xi32, #tpu.memory_space<vmem>>) target_semaphore(%arg9 : memref<!tpu.dma_semaphore, #tpu.memory_space<semaphore_mem>>)
    %dma_wait3A = tpu.memref_slice %arg3[%mul3A_2] : memref<32768xi32, #tpu.memory_space<hbm>> -> memref<256xi32, #tpu.memory_space<hbm>>
    %dma_wait3A_8 = tpu.memref_slice %arg3[%mul3A_2] : memref<32768xi32, #tpu.memory_space<hbm>> -> memref<256xi32, #tpu.memory_space<hbm>>
    tpu.wait_dma2 semaphore(%arg8 : memref<!tpu.dma_semaphore, #tpu.memory_space<semaphore_mem>>) src(%dma_wait3A_8 : memref<256xi32, #tpu.memory_space<hbm>>) dst(%arg5 : memref<256xi32, #tpu.memory_space<vmem>>)
    %dma_start3A_9 = arith.constant 0 : i32
    %dma_start3A_10 = arith.constant 0 : i32
    %dma_start3A_11 = arith.constant 0 : i32
    %dma_start3A_12 = tpu.memref_slice %arg7[%dma_start3A_9, %dma_start3A_10, %dma_start3A_11] : memref<2x256x128xf32, #tpu.memory_space<vmem>> -> memref<1x256x128xf32, #tpu.memory_space<vmem>>
    %dma_start3A_13 = tpu.memref_squeeze %dma_start3A_12 : memref<1x256x128xf32, #tpu.memory_space<vmem>> -> memref<256x128xf32, #tpu.memory_space<vmem>>
    %dma_start3A_14 = arith.constant 0 : i32
    %dma_start3A_15 = arith.constant 0 : i32
    %dma_start3A_16 = tpu.memref_slice %arg2[%dma_start3A_14, %dma_start3A_15] : memref<2048x128xf32, #tpu.memory_space<hbm>> -> memref<2048x128xf32, #tpu.memory_space<hbm>>
    tpu.enqueue_indirect_dma source(%dma_start3A_16 : memref<2048x128xf32, #tpu.memory_space<hbm>>) target(%dma_start3A_13 : memref<256x128xf32, #tpu.memory_space<vmem>>) offsets(%arg5 : memref<256xi32, #tpu.memory_space<vmem>>) semaphore(%arg10 : memref<!tpu.dma_semaphore, #tpu.memory_space<semaphore_mem>>)
    %dma_wait3A_17 = tpu.memref_slice %arg3[%add3A_5] : memref<32768xi32, #tpu.memory_space<hbm>> -> memref<256xi32, #tpu.memory_space<hbm>>
    %dma_wait3A_18 = tpu.memref_slice %arg3[%add3A_5] : memref<32768xi32, #tpu.memory_space<hbm>> -> memref<256xi32, #tpu.memory_space<hbm>>
    tpu.wait_dma2 semaphore(%arg9 : memref<!tpu.dma_semaphore, #tpu.memory_space<semaphore_mem>>) src(%dma_wait3A_18 : memref<256xi32, #tpu.memory_space<hbm>>) dst(%arg6 : memref<256xi32, #tpu.memory_space<vmem>>)
    %dma_start3A_19 = arith.constant 1 : i32
    %dma_start3A_20 = arith.constant 0 : i32
    %dma_start3A_21 = arith.constant 0 : i32
    %dma_start3A_22 = tpu.memref_slice %arg7[%dma_start3A_19, %dma_start3A_20, %dma_start3A_21] : memref<2x256x128xf32, #tpu.memory_space<vmem>> -> memref<1x256x128xf32, #tpu.memory_space<vmem>>
    %dma_start3A_23 = tpu.memref_squeeze %dma_start3A_22 : memref<1x256x128xf32, #tpu.memory_space<vmem>> -> memref<256x128xf32, #tpu.memory_space<vmem>>
    %dma_start3A_24 = arith.constant 0 : i32
    %dma_start3A_25 = arith.constant 0 : i32
    %dma_start3A_26 = tpu.memref_slice %arg2[%dma_start3A_24, %dma_start3A_25] : memref<2048x128xf32, #tpu.memory_space<hbm>> -> memref<2048x128xf32, #tpu.memory_space<hbm>>
    tpu.enqueue_indirect_dma source(%dma_start3A_26 : memref<2048x128xf32, #tpu.memory_space<hbm>>) target(%dma_start3A_23 : memref<256x128xf32, #tpu.memory_space<vmem>>) offsets(%arg6 : memref<256xi32, #tpu.memory_space<vmem>>) semaphore(%arg11 : memref<!tpu.dma_semaphore, #tpu.memory_space<semaphore_mem>>)
    %dma_wait3A_27 = arith.constant 0 : i32
    %dma_wait3A_28 = arith.constant 0 : i32
    %dma_wait3A_29 = arith.constant 0 : i32
    %dma_wait3A_30 = tpu.memref_slice %arg7[%dma_wait3A_27, %dma_wait3A_28, %dma_wait3A_29] : memref<2x256x128xf32, #tpu.memory_space<vmem>> -> memref<1x256x128xf32, #tpu.memory_space<vmem>>
    %dma_wait3A_31 = tpu.memref_squeeze %dma_wait3A_30 : memref<1x256x128xf32, #tpu.memory_space<vmem>> -> memref<256x128xf32, #tpu.memory_space<vmem>>
    %dma_wait3A_32 = arith.constant 0 : i32
    %dma_wait3A_33 = arith.constant 0 : i32
    %dma_wait3A_34 = tpu.memref_slice %arg2[%dma_wait3A_32, %dma_wait3A_33] : memref<2048x128xf32, #tpu.memory_space<hbm>> -> memref<2048x128xf32, #tpu.memory_space<hbm>>
    tpu.wait_indirect_dma semaphore(%arg10 : memref<!tpu.dma_semaphore, #tpu.memory_space<semaphore_mem>>) src(%dma_wait3A_34 : memref<2048x128xf32, #tpu.memory_space<hbm>>) dst(%dma_wait3A_31 : memref<256x128xf32, #tpu.memory_space<vmem>>)
    %add3A_35 = arith.constant 0 : i32
    %add3A_36 = arith.addi %mul3A_2, %add3A_35 : i32
    %dma_start3A_37 = arith.constant 0 : i32
    %dma_start3A_38 = arith.constant 0 : i32
    %dma_start3A_39 = arith.constant 0 : i32
    %dma_start3A_40 = tpu.memref_slice %arg7[%dma_start3A_37, %dma_start3A_38, %dma_start3A_39] : memref<2x256x128xf32, #tpu.memory_space<vmem>> -> memref<1x256x128xf32, #tpu.memory_space<vmem>>
    %dma_start3A_41 = tpu.memref_squeeze %dma_start3A_40 : memref<1x256x128xf32, #tpu.memory_space<vmem>> -> memref<256x128xf32, #tpu.memory_space<vmem>>
    %dma_start3A_42 = arith.constant 0 : i32
    %dma_start3A_43 = tpu.memref_slice %arg4[%add3A_36, %dma_start3A_42] : memref<32768x128xf32, #tpu.memory_space<hbm>> -> memref<256x128xf32, #tpu.memory_space<hbm>>
    %dma_start3A_44 = arith.constant 0 : i32
    %dma_start3A_45 = tpu.memref_slice %arg4[%add3A_36, %dma_start3A_44] : memref<32768x128xf32, #tpu.memory_space<hbm>> -> memref<256x128xf32, #tpu.memory_space<hbm>>
    %dma_start3A_46 = arith.constant 0 : i32
    %dma_start3A_47 = arith.constant 0 : i32
    %dma_start3A_48 = tpu.memref_slice %arg7[%dma_start3A_37, %dma_start3A_46, %dma_start3A_47] : memref<2x256x128xf32, #tpu.memory_space<vmem>> -> memref<1x256x128xf32, #tpu.memory_space<vmem>>
    %dma_start3A_49 = tpu.memref_squeeze %dma_start3A_48 : memref<1x256x128xf32, #tpu.memory_space<vmem>> -> memref<256x128xf32, #tpu.memory_space<vmem>>
    tpu.enqueue_dma source(%dma_start3A_49 : memref<256x128xf32, #tpu.memory_space<vmem>>) target(%dma_start3A_45 : memref<256x128xf32, #tpu.memory_space<hbm>>) target_semaphore(%arg12 : memref<!tpu.dma_semaphore, #tpu.memory_space<semaphore_mem>>)
    %add3A_50 = arith.constant 512 : i32
    %add3A_51 = arith.addi %mul3A_2, %add3A_50 : i32
    %dma_start3A_52 = tpu.memref_slice %arg3[%add3A_51] : memref<32768xi32, #tpu.memory_space<hbm>> -> memref<256xi32, #tpu.memory_space<hbm>>
    %dma_start3A_53 = tpu.memref_slice %arg3[%add3A_51] : memref<32768xi32, #tpu.memory_space<hbm>> -> memref<256xi32, #tpu.memory_space<hbm>>
    tpu.enqueue_dma source(%dma_start3A_53 : memref<256xi32, #tpu.memory_space<hbm>>) target(%arg5 : memref<256xi32, #tpu.memory_space<vmem>>) target_semaphore(%arg8 : memref<!tpu.dma_semaphore, #tpu.memory_space<semaphore_mem>>)
    %dma_wait3A_54 = arith.constant 0 : i32
    %dma_wait3A_55 = arith.constant 0 : i32
    %dma_wait3A_56 = arith.constant 0 : i32
    %dma_wait3A_57 = tpu.memref_slice %arg7[%dma_wait3A_54, %dma_wait3A_55, %dma_wait3A_56] : memref<2x256x128xf32, #tpu.memory_space<vmem>> -> memref<1x256x128xf32, #tpu.memory_space<vmem>>
    %dma_wait3A_58 = tpu.memref_squeeze %dma_wait3A_57 : memref<1x256x128xf32, #tpu.memory_space<vmem>> -> memref<256x128xf32, #tpu.memory_space<vmem>>
    %dma_wait3A_59 = arith.constant 0 : i32
    %dma_wait3A_60 = tpu.memref_slice %arg4[%add3A_36, %dma_wait3A_59] : memref<32768x128xf32, #tpu.memory_space<hbm>> -> memref<256x128xf32, #tpu.memory_space<hbm>>
    %dma_wait3A_61 = arith.constant 0 : i32
    %dma_wait3A_62 = tpu.memref_slice %arg4[%add3A_36, %dma_wait3A_61] : memref<32768x128xf32, #tpu.memory_space<hbm>> -> memref<256x128xf32, #tpu.memory_space<hbm>>
    %dma_wait3A_63 = arith.constant 0 : i32
    %dma_wait3A_64 = arith.constant 0 : i32
    %dma_wait3A_65 = tpu.memref_slice %arg7[%dma_wait3A_54, %dma_wait3A_63, %dma_wait3A_64] : memref<2x256x128xf32, #tpu.memory_space<vmem>> -> memref<1x256x128xf32, #tpu.memory_space<vmem>>
    %dma_wait3A_66 = tpu.memref_squeeze %dma_wait3A_65 : memref<1x256x128xf32, #tpu.memory_space<vmem>> -> memref<256x128xf32, #tpu.memory_space<vmem>>
    tpu.wait_dma2 semaphore(%arg12 : memref<!tpu.dma_semaphore, #tpu.memory_space<semaphore_mem>>) src(%dma_wait3A_66 : memref<256x128xf32, #tpu.memory_space<vmem>>) dst(%dma_wait3A_62 : memref<256x128xf32, #tpu.memory_space<hbm>>)
    %dma_wait3A_67 = tpu.memref_slice %arg3[%add3A_51] : memref<32768xi32, #tpu.memory_space<hbm>> -> memref<256xi32, #tpu.memory_space<hbm>>
    %dma_wait3A_68 = tpu.memref_slice %arg3[%add3A_51] : memref<32768xi32, #tpu.memory_space<hbm>> -> memref<256xi32, #tpu.memory_space<hbm>>
    tpu.wait_dma2 semaphore(%arg8 : memref<!tpu.dma_semaphore, #tpu.memory_space<semaphore_mem>>) src(%dma_wait3A_68 : memref<256xi32, #tpu.memory_space<hbm>>) dst(%arg5 : memref<256xi32, #tpu.memory_space<vmem>>)
    %dma_start3A_69 = arith.constant 0 : i32
    %dma_start3A_70 = arith.constant 0 : i32
    %dma_start3A_71 = arith.constant 0 : i32
    %dma_start3A_72 = tpu.memref_slice %arg7[%dma_start3A_69, %dma_start3A_70, %dma_start3A_71] : memref<2x256x128xf32, #tpu.memory_space<vmem>> -> memref<1x256x128xf32, #tpu.memory_space<vmem>>
    %dma_start3A_73 = tpu.memref_squeeze %dma_start3A_72 : memref<1x256x128xf32, #tpu.memory_space<vmem>> -> memref<256x128xf32, #tpu.memory_space<vmem>>
    %dma_start3A_74 = arith.constant 0 : i32
    %dma_start3A_75 = arith.constant 0 : i32
    %dma_start3A_76 = tpu.memref_slice %arg2[%dma_start3A_74, %dma_start3A_75] : memref<2048x128xf32, #tpu.memory_space<hbm>> -> memref<2048x128xf32, #tpu.memory_space<hbm>>
    tpu.enqueue_indirect_dma source(%dma_start3A_76 : memref<2048x128xf32, #tpu.memory_space<hbm>>) target(%dma_start3A_73 : memref<256x128xf32, #tpu.memory_space<vmem>>) offsets(%arg5 : memref<256xi32, #tpu.memory_space<vmem>>) semaphore(%arg10 : memref<!tpu.dma_semaphore, #tpu.memory_space<semaphore_mem>>)
    %dma_wait3A_77 = arith.constant 1 : i32
    %dma_wait3A_78 = arith.constant 0 : i32
    %dma_wait3A_79 = arith.constant 0 : i32
    %dma_wait3A_80 = tpu.memref_slice %arg7[%dma_wait3A_77, %dma_wait3A_78, %dma_wait3A_79] : memref<2x256x128xf32, #tpu.memory_space<vmem>> -> memref<1x256x128xf32, #tpu.memory_space<vmem>>
    %dma_wait3A_81 = tpu.memref_squeeze %dma_wait3A_80 : memref<1x256x128xf32, #tpu.memory_space<vmem>> -> memref<256x128xf32, #tpu.memory_space<vmem>>
    %dma_wait3A_82 = arith.constant 0 : i32
    %dma_wait3A_83 = arith.constant 0 : i32
    %dma_wait3A_84 = tpu.memref_slice %arg2[%dma_wait3A_82, %dma_wait3A_83] : memref<2048x128xf32, #tpu.memory_space<hbm>> -> memref<2048x128xf32, #tpu.memory_space<hbm>>
    tpu.wait_indirect_dma semaphore(%arg11 : memref<!tpu.dma_semaphore, #tpu.memory_space<semaphore_mem>>) src(%dma_wait3A_84 : memref<2048x128xf32, #tpu.memory_space<hbm>>) dst(%dma_wait3A_81 : memref<256x128xf32, #tpu.memory_space<vmem>>)
    %add3A_85 = arith.constant 256 : i32
    %add3A_86 = arith.addi %mul3A_2, %add3A_85 : i32
    %dma_start3A_87 = arith.constant 1 : i32
    %dma_start3A_88 = arith.constant 0 : i32
    %dma_start3A_89 = arith.constant 0 : i32
    %dma_start3A_90 = tpu.memref_slice %arg7[%dma_start3A_87, %dma_start3A_88, %dma_start3A_89] : memref<2x256x128xf32, #tpu.memory_space<vmem>> -> memref<1x256x128xf32, #tpu.memory_space<vmem>>
    %dma_start3A_91 = tpu.memref_squeeze %dma_start3A_90 : memref<1x256x128xf32, #tpu.memory_space<vmem>> -> memref<256x128xf32, #tpu.memory_space<vmem>>
    %dma_start3A_92 = arith.constant 0 : i32
    %dma_start3A_93 = tpu.memref_slice %arg4[%add3A_86, %dma_start3A_92] : memref<32768x128xf32, #tpu.memory_space<hbm>> -> memref<256x128xf32, #tpu.memory_space<hbm>>
    %dma_start3A_94 = arith.constant 0 : i32
    %dma_start3A_95 = tpu.memref_slice %arg4[%add3A_86, %dma_start3A_94] : memref<32768x128xf32, #tpu.memory_space<hbm>> -> memref<256x128xf32, #tpu.memory_space<hbm>>
    %dma_start3A_96 = arith.constant 0 : i32
    %dma_start3A_97 = arith.constant 0 : i32
    %dma_start3A_98 = tpu.memref_slice %arg7[%dma_start3A_87, %dma_start3A_96, %dma_start3A_97] : memref<2x256x128xf32, #tpu.memory_space<vmem>> -> memref<1x256x128xf32, #tpu.memory_space<vmem>>
    %dma_start3A_99 = tpu.memref_squeeze %dma_start3A_98 : memref<1x256x128xf32, #tpu.memory_space<vmem>> -> memref<256x128xf32, #tpu.memory_space<vmem>>
    tpu.enqueue_dma source(%dma_start3A_99 : memref<256x128xf32, #tpu.memory_space<vmem>>) target(%dma_start3A_95 : memref<256x128xf32, #tpu.memory_space<hbm>>) target_semaphore(%arg13 : memref<!tpu.dma_semaphore, #tpu.memory_space<semaphore_mem>>)
    %add3A_100 = arith.constant 768 : i32
    %add3A_101 = arith.addi %mul3A_2, %add3A_100 : i32
    %dma_start3A_102 = tpu.memref_slice %arg3[%add3A_101] : memref<32768xi32, #tpu.memory_space<hbm>> -> memref<256xi32, #tpu.memory_space<hbm>>
    %dma_start3A_103 = tpu.memref_slice %arg3[%add3A_101] : memref<32768xi32, #tpu.memory_space<hbm>> -> memref<256xi32, #tpu.memory_space<hbm>>
    tpu.enqueue_dma source(%dma_start3A_103 : memref<256xi32, #tpu.memory_space<hbm>>) target(%arg6 : memref<256xi32, #tpu.memory_space<vmem>>) target_semaphore(%arg9 : memref<!tpu.dma_semaphore, #tpu.memory_space<semaphore_mem>>)
    %dma_wait3A_104 = arith.constant 1 : i32
    %dma_wait3A_105 = arith.constant 0 : i32
    %dma_wait3A_106 = arith.constant 0 : i32
    %dma_wait3A_107 = tpu.memref_slice %arg7[%dma_wait3A_104, %dma_wait3A_105, %dma_wait3A_106] : memref<2x256x128xf32, #tpu.memory_space<vmem>> -> memref<1x256x128xf32, #tpu.memory_space<vmem>>
    %dma_wait3A_108 = tpu.memref_squeeze %dma_wait3A_107 : memref<1x256x128xf32, #tpu.memory_space<vmem>> -> memref<256x128xf32, #tpu.memory_space<vmem>>
    %dma_wait3A_109 = arith.constant 0 : i32
    %dma_wait3A_110 = tpu.memref_slice %arg4[%add3A_86, %dma_wait3A_109] : memref<32768x128xf32, #tpu.memory_space<hbm>> -> memref<256x128xf32, #tpu.memory_space<hbm>>
    %dma_wait3A_111 = arith.constant 0 : i32
    %dma_wait3A_112 = tpu.memref_slice %arg4[%add3A_86, %dma_wait3A_111] : memref<32768x128xf32, #tpu.memory_space<hbm>> -> memref<256x128xf32, #tpu.memory_space<hbm>>
    %dma_wait3A_113 = arith.constant 0 : i32
    %dma_wait3A_114 = arith.constant 0 : i32
    %dma_wait3A_115 = tpu.memref_slice %arg7[%dma_wait3A_104, %dma_wait3A_113, %dma_wait3A_114] : memref<2x256x128xf32, #tpu.memory_space<vmem>> -> memref<1x256x128xf32, #tpu.memory_space<vmem>>
    %dma_wait3A_116 = tpu.memref_squeeze %dma_wait3A_115 : memref<1x256x128xf32, #tpu.memory_space<vmem>> -> memref<256x128xf32, #tpu.memory_space<vmem>>
    tpu.wait_dma2 semaphore(%arg13 : memref<!tpu.dma_semaphore, #tpu.memory_space<semaphore_mem>>) src(%dma_wait3A_116 : memref<256x128xf32, #tpu.memory_space<vmem>>) dst(%dma_wait3A_112 : memref<256x128xf32, #tpu.memory_space<hbm>>)
    %dma_wait3A_117 = tpu.memref_slice %arg3[%add3A_101] : memref<32768xi32, #tpu.memory_space<hbm>> -> memref<256xi32, #tpu.memory_space<hbm>>
    %dma_wait3A_118 = tpu.memref_slice %arg3[%add3A_101] : memref<32768xi32, #tpu.memory_space<hbm>> -> memref<256xi32, #tpu.memory_space<hbm>>
    tpu.wait_dma2 semaphore(%arg9 : memref<!tpu.dma_semaphore, #tpu.memory_space<semaphore_mem>>) src(%dma_wait3A_118 : memref<256xi32, #tpu.memory_space<hbm>>) dst(%arg6 : memref<256xi32, #tpu.memory_space<vmem>>)
    %dma_start3A_119 = arith.constant 1 : i32
    %dma_start3A_120 = arith.constant 0 : i32
    %dma_start3A_121 = arith.constant 0 : i32
    %dma_start3A_122 = tpu.memref_slice %arg7[%dma_start3A_119, %dma_start3A_120, %dma_start3A_121] : memref<2x256x128xf32, #tpu.memory_space<vmem>> -> memref<1x256x128xf32, #tpu.memory_space<vmem>>
    %dma_start3A_123 = tpu.memref_squeeze %dma_start3A_122 : memref<1x256x128xf32, #tpu.memory_space<vmem>> -> memref<256x128xf32, #tpu.memory_space<vmem>>
    %dma_start3A_124 = arith.constant 0 : i32
    %dma_start3A_125 = arith.constant 0 : i32
    %dma_start3A_126 = tpu.memref_slice %arg2[%dma_start3A_124, %dma_start3A_125] : memref<2048x128xf32, #tpu.memory_space<hbm>> -> memref<2048x128xf32, #tpu.memory_space<hbm>>
    tpu.enqueue_indirect_dma source(%dma_start3A_126 : memref<2048x128xf32, #tpu.memory_space<hbm>>) target(%dma_start3A_123 : memref<256x128xf32, #tpu.memory_space<vmem>>) offsets(%arg6 : memref<256xi32, #tpu.memory_space<vmem>>) semaphore(%arg11 : memref<!tpu.dma_semaphore, #tpu.memory_space<semaphore_mem>>)
    %dma_wait3A_127 = arith.constant 0 : i32
    %dma_wait3A_128 = arith.constant 0 : i32
    %dma_wait3A_129 = arith.constant 0 : i32
    %dma_wait3A_130 = tpu.memref_slice %arg7[%dma_wait3A_127, %dma_wait3A_128, %dma_wait3A_129] : memref<2x256x128xf32, #tpu.memory_space<vmem>> -> memref<1x256x128xf32, #tpu.memory_space<vmem>>
    %dma_wait3A_131 = tpu.memref_squeeze %dma_wait3A_130 : memref<1x256x128xf32, #tpu.memory_space<vmem>> -> memref<256x128xf32, #tpu.memory_space<vmem>>
    %dma_wait3A_132 = arith.constant 0 : i32
    %dma_wait3A_133 = arith.constant 0 : i32
    %dma_wait3A_134 = tpu.memref_slice %arg2[%dma_wait3A_132, %dma_wait3A_133] : memref<2048x128xf32, #tpu.memory_space<hbm>> -> memref<2048x128xf32, #tpu.memory_space<hbm>>
    tpu.wait_indirect_dma semaphore(%arg10 : memref<!tpu.dma_semaphore, #tpu.memory_space<semaphore_mem>>) src(%dma_wait3A_134 : memref<2048x128xf32, #tpu.memory_space<hbm>>) dst(%dma_wait3A_131 : memref<256x128xf32, #tpu.memory_space<vmem>>)
    %add3A_135 = arith.constant 512 : i32
    %add3A_136 = arith.addi %mul3A_2, %add3A_135 : i32
    %dma_start3A_137 = arith.constant 0 : i32
    %dma_start3A_138 = arith.constant 0 : i32
    %dma_start3A_139 = arith.constant 0 : i32
    %dma_start3A_140 = tpu.memref_slice %arg7[%dma_start3A_137, %dma_start3A_138, %dma_start3A_139] : memref<2x256x128xf32, #tpu.memory_space<vmem>> -> memref<1x256x128xf32, #tpu.memory_space<vmem>>
    %dma_start3A_141 = tpu.memref_squeeze %dma_start3A_140 : memref<1x256x128xf32, #tpu.memory_space<vmem>> -> memref<256x128xf32, #tpu.memory_space<vmem>>
    %dma_start3A_142 = arith.constant 0 : i32
    %dma_start3A_143 = tpu.memref_slice %arg4[%add3A_136, %dma_start3A_142] : memref<32768x128xf32, #tpu.memory_space<hbm>> -> memref<256x128xf32, #tpu.memory_space<hbm>>
    %dma_start3A_144 = arith.constant 0 : i32
    %dma_start3A_145 = tpu.memref_slice %arg4[%add3A_136, %dma_start3A_144] : memref<32768x128xf32, #tpu.memory_space<hbm>> -> memref<256x128xf32, #tpu.memory_space<hbm>>
    %dma_start3A_146 = arith.constant 0 : i32
    %dma_start3A_147 = arith.constant 0 : i32
    %dma_start3A_148 = tpu.memref_slice %arg7[%dma_start3A_137, %dma_start3A_146, %dma_start3A_147] : memref<2x256x128xf32, #tpu.memory_space<vmem>> -> memref<1x256x128xf32, #tpu.memory_space<vmem>>
    %dma_start3A_149 = tpu.memref_squeeze %dma_start3A_148 : memref<1x256x128xf32, #tpu.memory_space<vmem>> -> memref<256x128xf32, #tpu.memory_space<vmem>>
    tpu.enqueue_dma source(%dma_start3A_149 : memref<256x128xf32, #tpu.memory_space<vmem>>) target(%dma_start3A_145 : memref<256x128xf32, #tpu.memory_space<hbm>>) target_semaphore(%arg12 : memref<!tpu.dma_semaphore, #tpu.memory_space<semaphore_mem>>)
    %dma_wait3A_150 = arith.constant 1 : i32
    %dma_wait3A_151 = arith.constant 0 : i32
    %dma_wait3A_152 = arith.constant 0 : i32
    %dma_wait3A_153 = tpu.memref_slice %arg7[%dma_wait3A_150, %dma_wait3A_151, %dma_wait3A_152] : memref<2x256x128xf32, #tpu.memory_space<vmem>> -> memref<1x256x128xf32, #tpu.memory_space<vmem>>
    %dma_wait3A_154 = tpu.memref_squeeze %dma_wait3A_153 : memref<1x256x128xf32, #tpu.memory_space<vmem>> -> memref<256x128xf32, #tpu.memory_space<vmem>>
    %dma_wait3A_155 = arith.constant 0 : i32
    %dma_wait3A_156 = arith.constant 0 : i32
    %dma_wait3A_157 = tpu.memref_slice %arg2[%dma_wait3A_155, %dma_wait3A_156] : memref<2048x128xf32, #tpu.memory_space<hbm>> -> memref<2048x128xf32, #tpu.memory_space<hbm>>
    tpu.wait_indirect_dma semaphore(%arg11 : memref<!tpu.dma_semaphore, #tpu.memory_space<semaphore_mem>>) src(%dma_wait3A_157 : memref<2048x128xf32, #tpu.memory_space<hbm>>) dst(%dma_wait3A_154 : memref<256x128xf32, #tpu.memory_space<vmem>>)
    %add3A_158 = arith.constant 768 : i32
    %add3A_159 = arith.addi %mul3A_2, %add3A_158 : i32
    %dma_start3A_160 = arith.constant 1 : i32
    %dma_start3A_161 = arith.constant 0 : i32
    %dma_start3A_162 = arith.constant 0 : i32
    %dma_start3A_163 = tpu.memref_slice %arg7[%dma_start3A_160, %dma_start3A_161, %dma_start3A_162] : memref<2x256x128xf32, #tpu.memory_space<vmem>> -> memref<1x256x128xf32, #tpu.memory_space<vmem>>
    %dma_start3A_164 = tpu.memref_squeeze %dma_start3A_163 : memref<1x256x128xf32, #tpu.memory_space<vmem>> -> memref<256x128xf32, #tpu.memory_space<vmem>>
    %dma_start3A_165 = arith.constant 0 : i32
    %dma_start3A_166 = tpu.memref_slice %arg4[%add3A_159, %dma_start3A_165] : memref<32768x128xf32, #tpu.memory_space<hbm>> -> memref<256x128xf32, #tpu.memory_space<hbm>>
    %dma_start3A_167 = arith.constant 0 : i32
    %dma_start3A_168 = tpu.memref_slice %arg4[%add3A_159, %dma_start3A_167] : memref<32768x128xf32, #tpu.memory_space<hbm>> -> memref<256x128xf32, #tpu.memory_space<hbm>>
    %dma_start3A_169 = arith.constant 0 : i32
    %dma_start3A_170 = arith.constant 0 : i32
    %dma_start3A_171 = tpu.memref_slice %arg7[%dma_start3A_160, %dma_start3A_169, %dma_start3A_170] : memref<2x256x128xf32, #tpu.memory_space<vmem>> -> memref<1x256x128xf32, #tpu.memory_space<vmem>>
    %dma_start3A_172 = tpu.memref_squeeze %dma_start3A_171 : memref<1x256x128xf32, #tpu.memory_space<vmem>> -> memref<256x128xf32, #tpu.memory_space<vmem>>
    tpu.enqueue_dma source(%dma_start3A_172 : memref<256x128xf32, #tpu.memory_space<vmem>>) target(%dma_start3A_168 : memref<256x128xf32, #tpu.memory_space<hbm>>) target_semaphore(%arg13 : memref<!tpu.dma_semaphore, #tpu.memory_space<semaphore_mem>>)
    %dma_wait3A_173 = arith.constant 0 : i32
    %dma_wait3A_174 = arith.constant 0 : i32
    %dma_wait3A_175 = arith.constant 0 : i32
    %dma_wait3A_176 = tpu.memref_slice %arg7[%dma_wait3A_173, %dma_wait3A_174, %dma_wait3A_175] : memref<2x256x128xf32, #tpu.memory_space<vmem>> -> memref<1x256x128xf32, #tpu.memory_space<vmem>>
    %dma_wait3A_177 = tpu.memref_squeeze %dma_wait3A_176 : memref<1x256x128xf32, #tpu.memory_space<vmem>> -> memref<256x128xf32, #tpu.memory_space<vmem>>
    %dma_wait3A_178 = arith.constant 0 : i32
    %dma_wait3A_179 = tpu.memref_slice %arg4[%add3A_136, %dma_wait3A_178] : memref<32768x128xf32, #tpu.memory_space<hbm>> -> memref<256x128xf32, #tpu.memory_space<hbm>>
    %dma_wait3A_180 = arith.constant 0 : i32
    %dma_wait3A_181 = tpu.memref_slice %arg4[%add3A_136, %dma_wait3A_180] : memref<32768x128xf32, #tpu.memory_space<hbm>> -> memref<256x128xf32, #tpu.memory_space<hbm>>
    %dma_wait3A_182 = arith.constant 0 : i32
    %dma_wait3A_183 = arith.constant 0 : i32
    %dma_wait3A_184 = tpu.memref_slice %arg7[%dma_wait3A_173, %dma_wait3A_182, %dma_wait3A_183] : memref<2x256x128xf32, #tpu.memory_space<vmem>> -> memref<1x256x128xf32, #tpu.memory_space<vmem>>
    %dma_wait3A_185 = tpu.memref_squeeze %dma_wait3A_184 : memref<1x256x128xf32, #tpu.memory_space<vmem>> -> memref<256x128xf32, #tpu.memory_space<vmem>>
    tpu.wait_dma2 semaphore(%arg12 : memref<!tpu.dma_semaphore, #tpu.memory_space<semaphore_mem>>) src(%dma_wait3A_185 : memref<256x128xf32, #tpu.memory_space<vmem>>) dst(%dma_wait3A_181 : memref<256x128xf32, #tpu.memory_space<hbm>>)
    %dma_wait3A_186 = arith.constant 1 : i32
    %dma_wait3A_187 = arith.constant 0 : i32
    %dma_wait3A_188 = arith.constant 0 : i32
    %dma_wait3A_189 = tpu.memref_slice %arg7[%dma_wait3A_186, %dma_wait3A_187, %dma_wait3A_188] : memref<2x256x128xf32, #tpu.memory_space<vmem>> -> memref<1x256x128xf32, #tpu.memory_space<vmem>>
    %dma_wait3A_190 = tpu.memref_squeeze %dma_wait3A_189 : memref<1x256x128xf32, #tpu.memory_space<vmem>> -> memref<256x128xf32, #tpu.memory_space<vmem>>
    %dma_wait3A_191 = arith.constant 0 : i32
    %dma_wait3A_192 = tpu.memref_slice %arg4[%add3A_159, %dma_wait3A_191] : memref<32768x128xf32, #tpu.memory_space<hbm>> -> memref<256x128xf32, #tpu.memory_space<hbm>>
    %dma_wait3A_193 = arith.constant 0 : i32
    %dma_wait3A_194 = tpu.memref_slice %arg4[%add3A_159, %dma_wait3A_193] : memref<32768x128xf32, #tpu.memory_space<hbm>> -> memref<256x128xf32, #tpu.memory_space<hbm>>
    %dma_wait3A_195 = arith.constant 0 : i32
    %dma_wait3A_196 = arith.constant 0 : i32
    %dma_wait3A_197 = tpu.memref_slice %arg7[%dma_wait3A_186, %dma_wait3A_195, %dma_wait3A_196] : memref<2x256x128xf32, #tpu.memory_space<vmem>> -> memref<1x256x128xf32, #tpu.memory_space<vmem>>
    %dma_wait3A_198 = tpu.memref_squeeze %dma_wait3A_197 : memref<1x256x128xf32, #tpu.memory_space<vmem>> -> memref<256x128xf32, #tpu.memory_space<vmem>>
    tpu.wait_dma2 semaphore(%arg13 : memref<!tpu.dma_semaphore, #tpu.memory_space<semaphore_mem>>) src(%dma_wait3A_198 : memref<256x128xf32, #tpu.memory_space<vmem>>) dst(%dma_wait3A_194 : memref<256x128xf32, #tpu.memory_space<hbm>>)
    return
  }
}

module attributes {stable_mosaic.version = 14 : i64} {
  func.func @_stage_a_body(%arg0: i32, %arg1: i32, %arg2: memref<1x256x19xf32, #tpu.memory_space<vmem>>, %arg3: memref<1x8x2048xf32, #tpu.memory_space<vmem>>, %arg4: memref<16x64xf32, #tpu.memory_space<vmem>>, %arg5: memref<1x64xf32, #tpu.memory_space<vmem>>, %arg6: memref<64x64xf32, #tpu.memory_space<vmem>>, %arg7: memref<1x64xf32, #tpu.memory_space<vmem>>, %arg8: memref<64x256xf32, #tpu.memory_space<vmem>>, %arg9: memref<1x256xf32, #tpu.memory_space<vmem>>, %arg10: memref<256x256xf32, #tpu.memory_space<vmem>>, %arg11: memref<1x256x256xf32, #tpu.memory_space<vmem>>, %arg12: memref<1x256x128xf32, #tpu.memory_space<vmem>>, %arg13: memref<16x256xi32, #tpu.memory_space<vmem>>) attributes {dimension_semantics = [#tpu.dimension_semantics<arbitrary>, #tpu.dimension_semantics<arbitrary>], iteration_bounds = array<i64: 1, 8>, scalar_prefetch = 0 : i64, scratch_operands = 0 : i64, tpu.core_type = #tpu.core_type<tc>, window_params = [{transform_indices = @transform_0, window_bounds = array<i64: 1, 256, 19>}, {transform_indices = @transform_1, window_bounds = array<i64: 1, 8, 2048>}, {pipeline_mode = #tpu.pipeline_mode<synchronous>, transform_indices = @transform_2, window_bounds = array<i64: 16, 64>}, {pipeline_mode = #tpu.pipeline_mode<synchronous>, transform_indices = @transform_3, window_bounds = array<i64: 1, 64>}, {pipeline_mode = #tpu.pipeline_mode<synchronous>, transform_indices = @transform_4, window_bounds = array<i64: 64, 64>}, {pipeline_mode = #tpu.pipeline_mode<synchronous>, transform_indices = @transform_5, window_bounds = array<i64: 1, 64>}, {pipeline_mode = #tpu.pipeline_mode<synchronous>, transform_indices = @transform_6, window_bounds = array<i64: 64, 256>}, {pipeline_mode = #tpu.pipeline_mode<synchronous>, transform_indices = @transform_7, window_bounds = array<i64: 1, 256>}, {pipeline_mode = #tpu.pipeline_mode<synchronous>, transform_indices = @transform_8, window_bounds = array<i64: 256, 256>}, {transform_indices = @transform_9, window_bounds = array<i64: 1, 256, 256>}, {transform_indices = @transform_10, window_bounds = array<i64: 1, 256, 128>}, {transform_indices = @transform_11, window_bounds = array<i64: 16, 256>}]} {
    %get3A = arith.constant 0 : index
    %get3A_0 = arith.constant 0 : index
    %get3A_1 = arith.constant 0 : index
    %get3A_2 = vector.load %arg2[%get3A, %get3A_0, %get3A_1] : memref<1x256x19xf32, #tpu.memory_space<vmem>>, vector<1x256x19xf32>
    %get3A_3 = vector.shape_cast %get3A_2 : vector<1x256x19xf32> to vector<256x19xf32>
    %slice3A = vector.extract_strided_slice %get3A_3 {offsets = [0, 0], sizes = [256, 3], strides = [1, 1]} : vector<256x19xf32> to vector<256x3xf32>
    %slice3A_4 = vector.extract_strided_slice %get3A_3 {offsets = [0, 3], sizes = [256, 16], strides = [1, 1]} : vector<256x19xf32> to vector<256x16xf32>
    %get3A_5 = arith.constant 0 : index
    %get3A_6 = arith.constant 0 : index
    %get3A_7 = vector.load %arg4[%get3A_5, %get3A_6] : memref<16x64xf32, #tpu.memory_space<vmem>>, vector<16x64xf32>
    %dot_general3A = arith.constant dense<0.000000e+00> : vector<256x64xf32>
    %dot_general3A_8 = tpu.matmul %slice3A_4, %get3A_7, %dot_general3A {dimension_numbers = #tpu.dot_dimension_numbers<[1], [0], [0], [1], [0, 0, 1, 1], [], []>, transpose_lhs_hint = false} : vector<256x16xf32>, vector<16x64xf32>, vector<256x64xf32> -> vector<256x64xf32>
    %get3A_9 = arith.constant 0 : index
    %get3A_10 = arith.constant 0 : index
    %get3A_11 = vector.load %arg5[%get3A_9, %get3A_10] : memref<1x64xf32, #tpu.memory_space<vmem>>, vector<1x64xf32>
    %add3A = vector.broadcast %get3A_11 : vector<1x64xf32> to vector<256x64xf32>
    %add3A_12 = arith.addf %dot_general3A_8, %add3A : vector<256x64xf32>
    %max3A = arith.constant 0.000000e+00 : f32
    %max3A_13 = vector.broadcast %max3A : f32 to vector<256x64xf32>
    %max3A_14 = arith.maximumf %add3A_12, %max3A_13 : vector<256x64xf32>
    %get3A_15 = arith.constant 0 : index
    %get3A_16 = arith.constant 0 : index
    %get3A_17 = vector.load %arg6[%get3A_15, %get3A_16] : memref<64x64xf32, #tpu.memory_space<vmem>>, vector<64x64xf32>
    %dot_general3A_18 = arith.constant dense<0.000000e+00> : vector<256x64xf32>
    %dot_general3A_19 = tpu.matmul %max3A_14, %get3A_17, %dot_general3A_18 {dimension_numbers = #tpu.dot_dimension_numbers<[1], [0], [0], [1], [0, 0, 1, 1], [], []>, transpose_lhs_hint = false} : vector<256x64xf32>, vector<64x64xf32>, vector<256x64xf32> -> vector<256x64xf32>
    %get3A_20 = arith.constant 0 : index
    %get3A_21 = arith.constant 0 : index
    %get3A_22 = vector.load %arg7[%get3A_20, %get3A_21] : memref<1x64xf32, #tpu.memory_space<vmem>>, vector<1x64xf32>
    %add3A_23 = vector.broadcast %get3A_22 : vector<1x64xf32> to vector<256x64xf32>
    %add3A_24 = arith.addf %dot_general3A_19, %add3A_23 : vector<256x64xf32>
    %get3A_25 = arith.constant 0 : index
    %get3A_26 = arith.constant 0 : index
    %get3A_27 = vector.load %arg8[%get3A_25, %get3A_26] : memref<64x256xf32, #tpu.memory_space<vmem>>, vector<64x256xf32>
    %dot_general3A_28 = arith.constant dense<0.000000e+00> : vector<256x256xf32>
    %dot_general3A_29 = tpu.matmul %add3A_24, %get3A_27, %dot_general3A_28 {dimension_numbers = #tpu.dot_dimension_numbers<[1], [0], [0], [1], [0, 0, 1, 1], [], []>, transpose_lhs_hint = false} : vector<256x64xf32>, vector<64x256xf32>, vector<256x256xf32> -> vector<256x256xf32>
    %get3A_30 = arith.constant 0 : index
    %get3A_31 = arith.constant 0 : index
    %get3A_32 = vector.load %arg9[%get3A_30, %get3A_31] : memref<1x256xf32, #tpu.memory_space<vmem>>, vector<1x256xf32>
    %add3A_33 = vector.broadcast %get3A_32 : vector<1x256xf32> to vector<256x256xf32>
    %add3A_34 = arith.addf %dot_general3A_29, %add3A_33 : vector<256x256xf32>
    %get3A_35 = arith.constant 0 : index
    %get3A_36 = arith.constant 0 : index
    %get3A_37 = vector.load %arg10[%get3A_35, %get3A_36] : memref<256x256xf32, #tpu.memory_space<vmem>>, vector<256x256xf32>
    %dot_general3A_38 = arith.constant dense<0.000000e+00> : vector<256x256xf32>
    %dot_general3A_39 = tpu.matmul %add3A_34, %get3A_37, %dot_general3A_38 {dimension_numbers = #tpu.dot_dimension_numbers<[1], [0], [0], [1], [0, 0, 1, 1], [], []>, transpose_lhs_hint = false} : vector<256x256xf32>, vector<256x256xf32>, vector<256x256xf32> -> vector<256x256xf32>
    %swap3A = arith.constant 0 : index
    %swap3A_40 = arith.constant 0 : index
    %swap3A_41 = arith.constant 0 : index
    %swap3A_42 = vector.load %arg11[%swap3A, %swap3A_40, %swap3A_41] : memref<1x256x256xf32, #tpu.memory_space<vmem>>, vector<1x256x256xf32>
    %swap3A_43 = vector.shape_cast %swap3A_42 : vector<1x256x256xf32> to vector<256x256xf32>
    %swap3A_44 = vector.shape_cast %dot_general3A_39 : vector<256x256xf32> to vector<1x256x256xf32>
    tpu.vector_store %arg11[%swap3A, %swap3A_40, %swap3A_41], %swap3A_44 {strides = array<i32>} : memref<1x256x256xf32, #tpu.memory_space<vmem>>, vector<1x256x256xf32>,
    %broadcast_in_dim3A = arith.constant 0.000000e+00 : f32
    %broadcast_in_dim3A_45 = vector.broadcast %broadcast_in_dim3A : f32 to vector<256x61xf32>
    %concatenate3A = tpu.concatenate %add3A_24, %slice3A, %broadcast_in_dim3A_45 in 1 : vector<256x64xf32>, vector<256x3xf32>, vector<256x61xf32> -> vector<256x128xf32>
    %swap3A_46 = arith.constant 0 : index
    %swap3A_47 = arith.constant 0 : index
    %swap3A_48 = arith.constant 0 : index
    %swap3A_49 = vector.load %arg12[%swap3A_46, %swap3A_47, %swap3A_48] : memref<1x256x128xf32, #tpu.memory_space<vmem>>, vector<1x256x128xf32>
    %swap3A_50 = vector.shape_cast %swap3A_49 : vector<1x256x128xf32> to vector<256x128xf32>
    %swap3A_51 = vector.shape_cast %concatenate3A : vector<256x128xf32> to vector<1x256x128xf32>
    tpu.vector_store %arg12[%swap3A_46, %swap3A_47, %swap3A_48], %swap3A_51 {strides = array<i32>} : memref<1x256x128xf32, #tpu.memory_space<vmem>>, vector<1x256x128xf32>,
    %get3A_52 = arith.constant 0 : index
    %get3A_53 = arith.constant 0 : index
    %get3A_54 = arith.constant 0 : index
    %get3A_55 = vector.load %arg3[%get3A_52, %get3A_53, %get3A_54] : memref<1x8x2048xf32, #tpu.memory_space<vmem>>, vector<1x8x2048xf32>
    %get3A_56 = vector.shape_cast %get3A_55 : vector<1x8x2048xf32> to vector<8x2048xf32>
    %slice3A_57 = vector.extract_strided_slice %get3A_56 {offsets = [0, 0], sizes = [3, 2048], strides = [1, 1]} : vector<8x2048xf32> to vector<3x2048xf32>
    %mul3A = arith.mulf %slice3A_57, %slice3A_57 : vector<3x2048xf32>
    %reduce_sum3A = arith.constant dense<0.000000e+00> : vector<2048xf32>
    %reduce_sum3A_58 = vector.multi_reduction <add>, %mul3A, %reduce_sum3A [0] : vector<3x2048xf32> to vector<2048xf32>
    %broadcast_in_dim3A_59 = vector.shape_cast %reduce_sum3A_58 : vector<2048xf32> to vector<1x2048xf32>
    %mul3A_60 = arith.mulf %slice3A, %slice3A : vector<256x3xf32>
    %reduce_sum3A_61 = arith.constant dense<0.000000e+00> : vector<256xf32>
    %reduce_sum3A_62 = vector.multi_reduction <add>, %mul3A_60, %reduce_sum3A_61 [1] : vector<256x3xf32> to vector<256xf32>
    %broadcast_in_dim3A_63 = vector.shape_cast %reduce_sum3A_62 : vector<256xf32> to vector<256x1xf32>
    %dot_general3A_64 = arith.constant dense<0.000000e+00> : vector<256x2048xf32>
    %dot_general3A_65 = tpu.matmul %slice3A, %slice3A_57, %dot_general3A_64 {dimension_numbers = #tpu.dot_dimension_numbers<[1], [0], [0], [1], [0, 0, 1, 1], [], []>, transpose_lhs_hint = false} : vector<256x3xf32>, vector<3x2048xf32>, vector<256x2048xf32> -> vector<256x2048xf32>
    %add3A_66 = vector.broadcast %broadcast_in_dim3A_63 : vector<256x1xf32> to vector<256x2048xf32>
    %add3A_67 = vector.broadcast %broadcast_in_dim3A_59 : vector<1x2048xf32> to vector<256x2048xf32>
    %add3A_68 = arith.addf %add3A_66, %add3A_67 : vector<256x2048xf32>
    %mul3A_69 = arith.constant 2.000000e+00 : f32
    %mul3A_70 = vector.broadcast %mul3A_69 : f32 to vector<256x2048xf32>
    %mul3A_71 = arith.mulf %mul3A_70, %dot_general3A_65 : vector<256x2048xf32>
    %sub3A = arith.subf %add3A_68, %mul3A_71 : vector<256x2048xf32>
    %iota3A = tpu.iota {dimensions = array<i32: 0>} : vector<2048x1xi32>
    %and3A = arith.constant 127 : i32
    %and3A_72 = vector.broadcast %and3A : i32 to vector<2048x1xi32>
    %and3A_73 = arith.andi %iota3A, %and3A_72 : vector<2048x1xi32>
    %convert_element_type3A = arith.sitofp %and3A_73 : vector<2048x1xi32> to vector<2048x1xf32>
    %shift_right_arithmetic3A = arith.constant 7 : i32
    %shift_right_arithmetic3A_74 = vector.broadcast %shift_right_arithmetic3A : i32 to vector<2048x1xi32>
    %shift_right_arithmetic3A_75 = arith.shrsi %iota3A, %shift_right_arithmetic3A_74 : vector<2048x1xi32>
    %convert_element_type3A_76 = arith.sitofp %shift_right_arithmetic3A_75 : vector<2048x1xi32> to vector<2048x1xf32>
    %concatenate3A_77 = tpu.concatenate %convert_element_type3A, %convert_element_type3A_76 in 1 : vector<2048x1xf32>, vector<2048x1xf32> -> vector<2048x2xf32>
    %reduce_min3A = arith.constant dense<0x7F800000> : vector<256xf32>
    %reduce_min3A_78 = vector.multi_reduction <minimumf>, %sub3A, %reduce_min3A [1] : vector<256x2048xf32> to vector<256xf32>
    %broadcast_in_dim3A_79 = vector.shape_cast %reduce_min3A_78 : vector<256xf32> to vector<256x1xf32>
    %eq3A = vector.broadcast %broadcast_in_dim3A_79 : vector<256x1xf32> to vector<256x2048xf32>
    %eq3A_80 = arith.cmpf oeq, %sub3A, %eq3A : vector<256x2048xf32>
    %jit3A = arith.constant 1.000000e+00 : f32
    %jit3A_81 = arith.constant 0.000000e+00 : f32
    %broadcast_in_dim3A_82 = vector.broadcast %jit3A : f32 to vector<256x2048xf32>
    %broadcast_in_dim3A_83 = vector.broadcast %jit3A_81 : f32 to vector<256x2048xf32>
    %select_n3A = arith.select %eq3A_80, %broadcast_in_dim3A_82, %broadcast_in_dim3A_83 : vector<256x2048xi1>, vector<256x2048xf32>
    %dot_general3A_84 = arith.constant dense<0.000000e+00> : vector<256x2xf32>
    %dot_general3A_85 = tpu.matmul %select_n3A, %concatenate3A_77, %dot_general3A_84 {dimension_numbers = #tpu.dot_dimension_numbers<[1], [0], [0], [1], [0, 0, 1, 1], [], []>, transpose_lhs_hint = false} : vector<256x2048xf32>, vector<2048x2xf32>, vector<256x2xf32> -> vector<256x2xf32>
    %slice3A_86 = vector.extract_strided_slice %dot_general3A_85 {offsets = [0, 0], sizes = [256, 1], strides = [1, 1]} : vector<256x2xf32> to vector<256x1xf32>
    %slice3A_87 = vector.extract_strided_slice %dot_general3A_85 {offsets = [0, 1], sizes = [256, 1], strides = [1, 1]} : vector<256x2xf32> to vector<256x1xf32>
    %mul3A_88 = arith.constant 1.280000e+02 : f32
    %mul3A_89 = vector.broadcast %mul3A_88 : f32 to vector<256x1xf32>
    %mul3A_90 = arith.mulf %mul3A_89, %slice3A_87 : vector<256x1xf32>
    %add3A_91 = arith.addf %slice3A_86, %mul3A_90 : vector<256x1xf32>
    %jit3A_92 = arith.constant 0x7F800000 : f32
    %broadcast_in_dim3A_93 = vector.broadcast %jit3A_92 : f32 to vector<256x2048xf32>
    %select_n3A_94 = arith.select %eq3A_80, %broadcast_in_dim3A_93, %sub3A : vector<256x2048xi1>, vector<256x2048xf32>
    %reduce_min3A_95 = arith.constant dense<0x7F800000> : vector<256xf32>
    %reduce_min3A_96 = vector.multi_reduction <minimumf>, %select_n3A_94, %reduce_min3A_95 [1] : vector<256x2048xf32> to vector<256xf32>
    %broadcast_in_dim3A_97 = vector.shape_cast %reduce_min3A_96 : vector<256xf32> to vector<256x1xf32>
    %eq3A_98 = vector.broadcast %broadcast_in_dim3A_97 : vector<256x1xf32> to vector<256x2048xf32>
    %eq3A_99 = arith.cmpf oeq, %select_n3A_94, %eq3A_98 : vector<256x2048xf32>
    %jit3A_100 = arith.constant 1.000000e+00 : f32
    %jit3A_101 = arith.constant 0.000000e+00 : f32
    %broadcast_in_dim3A_102 = vector.broadcast %jit3A_100 : f32 to vector<256x2048xf32>
    %broadcast_in_dim3A_103 = vector.broadcast %jit3A_101 : f32 to vector<256x2048xf32>
    %select_n3A_104 = arith.select %eq3A_99, %broadcast_in_dim3A_102, %broadcast_in_dim3A_103 : vector<256x2048xi1>, vector<256x2048xf32>
    %dot_general3A_105 = arith.constant dense<0.000000e+00> : vector<256x2xf32>
    %dot_general3A_106 = tpu.matmul %select_n3A_104, %concatenate3A_77, %dot_general3A_105 {dimension_numbers = #tpu.dot_dimension_numbers<[1], [0], [0], [1], [0, 0, 1, 1], [], []>, transpose_lhs_hint = false} : vector<256x2048xf32>, vector<2048x2xf32>, vector<256x2xf32> -> vector<256x2xf32>
    %slice3A_107 = vector.extract_strided_slice %dot_general3A_106 {offsets = [0, 0], sizes = [256, 1], strides = [1, 1]} : vector<256x2xf32> to vector<256x1xf32>
    %slice3A_108 = vector.extract_strided_slice %dot_general3A_106 {offsets = [0, 1], sizes = [256, 1], strides = [1, 1]} : vector<256x2xf32> to vector<256x1xf32>
    %mul3A_109 = arith.constant 1.280000e+02 : f32
    %mul3A_110 = vector.broadcast %mul3A_109 : f32 to vector<256x1xf32>
    %mul3A_111 = arith.mulf %mul3A_110, %slice3A_108 : vector<256x1xf32>
    %add3A_112 = arith.addf %slice3A_107, %mul3A_111 : vector<256x1xf32>
    %jit3A_113 = arith.constant 0x7F800000 : f32
    %broadcast_in_dim3A_114 = vector.broadcast %jit3A_113 : f32 to vector<256x2048xf32>
    %select_n3A_115 = arith.select %eq3A_99, %broadcast_in_dim3A_114, %select_n3A_94 : vector<256x2048xi1>, vector<256x2048xf32>
    %reduce_min3A_116 = arith.constant dense<0x7F800000> : vector<256xf32>
    %reduce_min3A_117 = vector.multi_reduction <minimumf>, %select_n3A_115, %reduce_min3A_116 [1] : vector<256x2048xf32> to vector<256xf32>
    %broadcast_in_dim3A_118 = vector.shape_cast %reduce_min3A_117 : vector<256xf32> to vector<256x1xf32>
    %eq3A_119 = vector.broadcast %broadcast_in_dim3A_118 : vector<256x1xf32> to vector<256x2048xf32>
    %eq3A_120 = arith.cmpf oeq, %select_n3A_115, %eq3A_119 : vector<256x2048xf32>
    %jit3A_121 = arith.constant 1.000000e+00 : f32
    %jit3A_122 = arith.constant 0.000000e+00 : f32
    %broadcast_in_dim3A_123 = vector.broadcast %jit3A_121 : f32 to vector<256x2048xf32>
    %broadcast_in_dim3A_124 = vector.broadcast %jit3A_122 : f32 to vector<256x2048xf32>
    %select_n3A_125 = arith.select %eq3A_120, %broadcast_in_dim3A_123, %broadcast_in_dim3A_124 : vector<256x2048xi1>, vector<256x2048xf32>
    %dot_general3A_126 = arith.constant dense<0.000000e+00> : vector<256x2xf32>
    %dot_general3A_127 = tpu.matmul %select_n3A_125, %concatenate3A_77, %dot_general3A_126 {dimension_numbers = #tpu.dot_dimension_numbers<[1], [0], [0], [1], [0, 0, 1, 1], [], []>, transpose_lhs_hint = false} : vector<256x2048xf32>, vector<2048x2xf32>, vector<256x2xf32> -> vector<256x2xf32>
    %slice3A_128 = vector.extract_strided_slice %dot_general3A_127 {offsets = [0, 0], sizes = [256, 1], strides = [1, 1]} : vector<256x2xf32> to vector<256x1xf32>
    %slice3A_129 = vector.extract_strided_slice %dot_general3A_127 {offsets = [0, 1], sizes = [256, 1], strides = [1, 1]} : vector<256x2xf32> to vector<256x1xf32>
    %mul3A_130 = arith.constant 1.280000e+02 : f32
    %mul3A_131 = vector.broadcast %mul3A_130 : f32 to vector<256x1xf32>
    %mul3A_132 = arith.mulf %mul3A_131, %slice3A_129 : vector<256x1xf32>
    %add3A_133 = arith.addf %slice3A_128, %mul3A_132 : vector<256x1xf32>
    %jit3A_134 = arith.constant 0x7F800000 : f32
    %broadcast_in_dim3A_135 = vector.broadcast %jit3A_134 : f32 to vector<256x2048xf32>
    %select_n3A_136 = arith.select %eq3A_120, %broadcast_in_dim3A_135, %select_n3A_115 : vector<256x2048xi1>, vector<256x2048xf32>
    %reduce_min3A_137 = arith.constant dense<0x7F800000> : vector<256xf32>
    %reduce_min3A_138 = vector.multi_reduction <minimumf>, %select_n3A_136, %reduce_min3A_137 [1] : vector<256x2048xf32> to vector<256xf32>
    %broadcast_in_dim3A_139 = vector.shape_cast %reduce_min3A_138 : vector<256xf32> to vector<256x1xf32>
    %eq3A_140 = vector.broadcast %broadcast_in_dim3A_139 : vector<256x1xf32> to vector<256x2048xf32>
    %eq3A_141 = arith.cmpf oeq, %select_n3A_136, %eq3A_140 : vector<256x2048xf32>
    %jit3A_142 = arith.constant 1.000000e+00 : f32
    %jit3A_143 = arith.constant 0.000000e+00 : f32
    %broadcast_in_dim3A_144 = vector.broadcast %jit3A_142 : f32 to vector<256x2048xf32>
    %broadcast_in_dim3A_145 = vector.broadcast %jit3A_143 : f32 to vector<256x2048xf32>
    %select_n3A_146 = arith.select %eq3A_141, %broadcast_in_dim3A_144, %broadcast_in_dim3A_145 : vector<256x2048xi1>, vector<256x2048xf32>
    %dot_general3A_147 = arith.constant dense<0.000000e+00> : vector<256x2xf32>
    %dot_general3A_148 = tpu.matmul %select_n3A_146, %concatenate3A_77, %dot_general3A_147 {dimension_numbers = #tpu.dot_dimension_numbers<[1], [0], [0], [1], [0, 0, 1, 1], [], []>, transpose_lhs_hint = false} : vector<256x2048xf32>, vector<2048x2xf32>, vector<256x2xf32> -> vector<256x2xf32>
    %slice3A_149 = vector.extract_strided_slice %dot_general3A_148 {offsets = [0, 0], sizes = [256, 1], strides = [1, 1]} : vector<256x2xf32> to vector<256x1xf32>
    %slice3A_150 = vector.extract_strided_slice %dot_general3A_148 {offsets = [0, 1], sizes = [256, 1], strides = [1, 1]} : vector<256x2xf32> to vector<256x1xf32>
    %mul3A_151 = arith.constant 1.280000e+02 : f32
    %mul3A_152 = vector.broadcast %mul3A_151 : f32 to vector<256x1xf32>
    %mul3A_153 = arith.mulf %mul3A_152, %slice3A_150 : vector<256x1xf32>
    %add3A_154 = arith.addf %slice3A_149, %mul3A_153 : vector<256x1xf32>
    %jit3A_155 = arith.constant 0x7F800000 : f32
    %broadcast_in_dim3A_156 = vector.broadcast %jit3A_155 : f32 to vector<256x2048xf32>
    %select_n3A_157 = arith.select %eq3A_141, %broadcast_in_dim3A_156, %select_n3A_136 : vector<256x2048xi1>, vector<256x2048xf32>
    %reduce_min3A_158 = arith.constant dense<0x7F800000> : vector<256xf32>
    %reduce_min3A_159 = vector.multi_reduction <minimumf>, %select_n3A_157, %reduce_min3A_158 [1] : vector<256x2048xf32> to vector<256xf32>
    %broadcast_in_dim3A_160 = vector.shape_cast %reduce_min3A_159 : vector<256xf32> to vector<256x1xf32>
    %eq3A_161 = vector.broadcast %broadcast_in_dim3A_160 : vector<256x1xf32> to vector<256x2048xf32>
    %eq3A_162 = arith.cmpf oeq, %select_n3A_157, %eq3A_161 : vector<256x2048xf32>
    %jit3A_163 = arith.constant 1.000000e+00 : f32
    %jit3A_164 = arith.constant 0.000000e+00 : f32
    %broadcast_in_dim3A_165 = vector.broadcast %jit3A_163 : f32 to vector<256x2048xf32>
    %broadcast_in_dim3A_166 = vector.broadcast %jit3A_164 : f32 to vector<256x2048xf32>
    %select_n3A_167 = arith.select %eq3A_162, %broadcast_in_dim3A_165, %broadcast_in_dim3A_166 : vector<256x2048xi1>, vector<256x2048xf32>
    %dot_general3A_168 = arith.constant dense<0.000000e+00> : vector<256x2xf32>
    %dot_general3A_169 = tpu.matmul %select_n3A_167, %concatenate3A_77, %dot_general3A_168 {dimension_numbers = #tpu.dot_dimension_numbers<[1], [0], [0], [1], [0, 0, 1, 1], [], []>, transpose_lhs_hint = false} : vector<256x2048xf32>, vector<2048x2xf32>, vector<256x2xf32> -> vector<256x2xf32>
    %slice3A_170 = vector.extract_strided_slice %dot_general3A_169 {offsets = [0, 0], sizes = [256, 1], strides = [1, 1]} : vector<256x2xf32> to vector<256x1xf32>
    %slice3A_171 = vector.extract_strided_slice %dot_general3A_169 {offsets = [0, 1], sizes = [256, 1], strides = [1, 1]} : vector<256x2xf32> to vector<256x1xf32>
    %mul3A_172 = arith.constant 1.280000e+02 : f32
    %mul3A_173 = vector.broadcast %mul3A_172 : f32 to vector<256x1xf32>
    %mul3A_174 = arith.mulf %mul3A_173, %slice3A_171 : vector<256x1xf32>
    %add3A_175 = arith.addf %slice3A_170, %mul3A_174 : vector<256x1xf32>
    %jit3A_176 = arith.constant 0x7F800000 : f32
    %broadcast_in_dim3A_177 = vector.broadcast %jit3A_176 : f32 to vector<256x2048xf32>
    %select_n3A_178 = arith.select %eq3A_162, %broadcast_in_dim3A_177, %select_n3A_157 : vector<256x2048xi1>, vector<256x2048xf32>
    %reduce_min3A_179 = arith.constant dense<0x7F800000> : vector<256xf32>
    %reduce_min3A_180 = vector.multi_reduction <minimumf>, %select_n3A_178, %reduce_min3A_179 [1] : vector<256x2048xf32> to vector<256xf32>
    %broadcast_in_dim3A_181 = vector.shape_cast %reduce_min3A_180 : vector<256xf32> to vector<256x1xf32>
    %eq3A_182 = vector.broadcast %broadcast_in_dim3A_181 : vector<256x1xf32> to vector<256x2048xf32>
    %eq3A_183 = arith.cmpf oeq, %select_n3A_178, %eq3A_182 : vector<256x2048xf32>
    %jit3A_184 = arith.constant 1.000000e+00 : f32
    %jit3A_185 = arith.constant 0.000000e+00 : f32
    %broadcast_in_dim3A_186 = vector.broadcast %jit3A_184 : f32 to vector<256x2048xf32>
    %broadcast_in_dim3A_187 = vector.broadcast %jit3A_185 : f32 to vector<256x2048xf32>
    %select_n3A_188 = arith.select %eq3A_183, %broadcast_in_dim3A_186, %broadcast_in_dim3A_187 : vector<256x2048xi1>, vector<256x2048xf32>
    %dot_general3A_189 = arith.constant dense<0.000000e+00> : vector<256x2xf32>
    %dot_general3A_190 = tpu.matmul %select_n3A_188, %concatenate3A_77, %dot_general3A_189 {dimension_numbers = #tpu.dot_dimension_numbers<[1], [0], [0], [1], [0, 0, 1, 1], [], []>, transpose_lhs_hint = false} : vector<256x2048xf32>, vector<2048x2xf32>, vector<256x2xf32> -> vector<256x2xf32>
    %slice3A_191 = vector.extract_strided_slice %dot_general3A_190 {offsets = [0, 0], sizes = [256, 1], strides = [1, 1]} : vector<256x2xf32> to vector<256x1xf32>
    %slice3A_192 = vector.extract_strided_slice %dot_general3A_190 {offsets = [0, 1], sizes = [256, 1], strides = [1, 1]} : vector<256x2xf32> to vector<256x1xf32>
    %mul3A_193 = arith.constant 1.280000e+02 : f32
    %mul3A_194 = vector.broadcast %mul3A_193 : f32 to vector<256x1xf32>
    %mul3A_195 = arith.mulf %mul3A_194, %slice3A_192 : vector<256x1xf32>
    %add3A_196 = arith.addf %slice3A_191, %mul3A_195 : vector<256x1xf32>
    %jit3A_197 = arith.constant 0x7F800000 : f32
    %broadcast_in_dim3A_198 = vector.broadcast %jit3A_197 : f32 to vector<256x2048xf32>
    %select_n3A_199 = arith.select %eq3A_183, %broadcast_in_dim3A_198, %select_n3A_178 : vector<256x2048xi1>, vector<256x2048xf32>
    %reduce_min3A_200 = arith.constant dense<0x7F800000> : vector<256xf32>
    %reduce_min3A_201 = vector.multi_reduction <minimumf>, %select_n3A_199, %reduce_min3A_200 [1] : vector<256x2048xf32> to vector<256xf32>
    %broadcast_in_dim3A_202 = vector.shape_cast %reduce_min3A_201 : vector<256xf32> to vector<256x1xf32>
    %eq3A_203 = vector.broadcast %broadcast_in_dim3A_202 : vector<256x1xf32> to vector<256x2048xf32>
    %eq3A_204 = arith.cmpf oeq, %select_n3A_199, %eq3A_203 : vector<256x2048xf32>
    %jit3A_205 = arith.constant 1.000000e+00 : f32
    %jit3A_206 = arith.constant 0.000000e+00 : f32
    %broadcast_in_dim3A_207 = vector.broadcast %jit3A_205 : f32 to vector<256x2048xf32>
    %broadcast_in_dim3A_208 = vector.broadcast %jit3A_206 : f32 to vector<256x2048xf32>
    %select_n3A_209 = arith.select %eq3A_204, %broadcast_in_dim3A_207, %broadcast_in_dim3A_208 : vector<256x2048xi1>, vector<256x2048xf32>
    %dot_general3A_210 = arith.constant dense<0.000000e+00> : vector<256x2xf32>
    %dot_general3A_211 = tpu.matmul %select_n3A_209, %concatenate3A_77, %dot_general3A_210 {dimension_numbers = #tpu.dot_dimension_numbers<[1], [0], [0], [1], [0, 0, 1, 1], [], []>, transpose_lhs_hint = false} : vector<256x2048xf32>, vector<2048x2xf32>, vector<256x2xf32> -> vector<256x2xf32>
    %slice3A_212 = vector.extract_strided_slice %dot_general3A_211 {offsets = [0, 0], sizes = [256, 1], strides = [1, 1]} : vector<256x2xf32> to vector<256x1xf32>
    %slice3A_213 = vector.extract_strided_slice %dot_general3A_211 {offsets = [0, 1], sizes = [256, 1], strides = [1, 1]} : vector<256x2xf32> to vector<256x1xf32>
    %mul3A_214 = arith.constant 1.280000e+02 : f32
    %mul3A_215 = vector.broadcast %mul3A_214 : f32 to vector<256x1xf32>
    %mul3A_216 = arith.mulf %mul3A_215, %slice3A_213 : vector<256x1xf32>
    %add3A_217 = arith.addf %slice3A_212, %mul3A_216 : vector<256x1xf32>
    %jit3A_218 = arith.constant 0x7F800000 : f32
    %broadcast_in_dim3A_219 = vector.broadcast %jit3A_218 : f32 to vector<256x2048xf32>
    %select_n3A_220 = arith.select %eq3A_204, %broadcast_in_dim3A_219, %select_n3A_199 : vector<256x2048xi1>, vector<256x2048xf32>
    %reduce_min3A_221 = arith.constant dense<0x7F800000> : vector<256xf32>
    %reduce_min3A_222 = vector.multi_reduction <minimumf>, %select_n3A_220, %reduce_min3A_221 [1] : vector<256x2048xf32> to vector<256xf32>
    %broadcast_in_dim3A_223 = vector.shape_cast %reduce_min3A_222 : vector<256xf32> to vector<256x1xf32>
    %eq3A_224 = vector.broadcast %broadcast_in_dim3A_223 : vector<256x1xf32> to vector<256x2048xf32>
    %eq3A_225 = arith.cmpf oeq, %select_n3A_220, %eq3A_224 : vector<256x2048xf32>
    %jit3A_226 = arith.constant 1.000000e+00 : f32
    %jit3A_227 = arith.constant 0.000000e+00 : f32
    %broadcast_in_dim3A_228 = vector.broadcast %jit3A_226 : f32 to vector<256x2048xf32>
    %broadcast_in_dim3A_229 = vector.broadcast %jit3A_227 : f32 to vector<256x2048xf32>
    %select_n3A_230 = arith.select %eq3A_225, %broadcast_in_dim3A_228, %broadcast_in_dim3A_229 : vector<256x2048xi1>, vector<256x2048xf32>
    %dot_general3A_231 = arith.constant dense<0.000000e+00> : vector<256x2xf32>
    %dot_general3A_232 = tpu.matmul %select_n3A_230, %concatenate3A_77, %dot_general3A_231 {dimension_numbers = #tpu.dot_dimension_numbers<[1], [0], [0], [1], [0, 0, 1, 1], [], []>, transpose_lhs_hint = false} : vector<256x2048xf32>, vector<2048x2xf32>, vector<256x2xf32> -> vector<256x2xf32>
    %slice3A_233 = vector.extract_strided_slice %dot_general3A_232 {offsets = [0, 0], sizes = [256, 1], strides = [1, 1]} : vector<256x2xf32> to vector<256x1xf32>
    %slice3A_234 = vector.extract_strided_slice %dot_general3A_232 {offsets = [0, 1], sizes = [256, 1], strides = [1, 1]} : vector<256x2xf32> to vector<256x1xf32>
    %mul3A_235 = arith.constant 1.280000e+02 : f32
    %mul3A_236 = vector.broadcast %mul3A_235 : f32 to vector<256x1xf32>
    %mul3A_237 = arith.mulf %mul3A_236, %slice3A_234 : vector<256x1xf32>
    %add3A_238 = arith.addf %slice3A_233, %mul3A_237 : vector<256x1xf32>
    %jit3A_239 = arith.constant 0x7F800000 : f32
    %broadcast_in_dim3A_240 = vector.broadcast %jit3A_239 : f32 to vector<256x2048xf32>
    %select_n3A_241 = arith.select %eq3A_225, %broadcast_in_dim3A_240, %select_n3A_220 : vector<256x2048xi1>, vector<256x2048xf32>
    %reduce_min3A_242 = arith.constant dense<0x7F800000> : vector<256xf32>
    %reduce_min3A_243 = vector.multi_reduction <minimumf>, %select_n3A_241, %reduce_min3A_242 [1] : vector<256x2048xf32> to vector<256xf32>
    %broadcast_in_dim3A_244 = vector.shape_cast %reduce_min3A_243 : vector<256xf32> to vector<256x1xf32>
    %eq3A_245 = vector.broadcast %broadcast_in_dim3A_244 : vector<256x1xf32> to vector<256x2048xf32>
    %eq3A_246 = arith.cmpf oeq, %select_n3A_241, %eq3A_245 : vector<256x2048xf32>
    %jit3A_247 = arith.constant 1.000000e+00 : f32
    %jit3A_248 = arith.constant 0.000000e+00 : f32
    %broadcast_in_dim3A_249 = vector.broadcast %jit3A_247 : f32 to vector<256x2048xf32>
    %broadcast_in_dim3A_250 = vector.broadcast %jit3A_248 : f32 to vector<256x2048xf32>
    %select_n3A_251 = arith.select %eq3A_246, %broadcast_in_dim3A_249, %broadcast_in_dim3A_250 : vector<256x2048xi1>, vector<256x2048xf32>
    %dot_general3A_252 = arith.constant dense<0.000000e+00> : vector<256x2xf32>
    %dot_general3A_253 = tpu.matmul %select_n3A_251, %concatenate3A_77, %dot_general3A_252 {dimension_numbers = #tpu.dot_dimension_numbers<[1], [0], [0], [1], [0, 0, 1, 1], [], []>, transpose_lhs_hint = false} : vector<256x2048xf32>, vector<2048x2xf32>, vector<256x2xf32> -> vector<256x2xf32>
    %slice3A_254 = vector.extract_strided_slice %dot_general3A_253 {offsets = [0, 0], sizes = [256, 1], strides = [1, 1]} : vector<256x2xf32> to vector<256x1xf32>
    %slice3A_255 = vector.extract_strided_slice %dot_general3A_253 {offsets = [0, 1], sizes = [256, 1], strides = [1, 1]} : vector<256x2xf32> to vector<256x1xf32>
    %mul3A_256 = arith.constant 1.280000e+02 : f32
    %mul3A_257 = vector.broadcast %mul3A_256 : f32 to vector<256x1xf32>
    %mul3A_258 = arith.mulf %mul3A_257, %slice3A_255 : vector<256x1xf32>
    %add3A_259 = arith.addf %slice3A_254, %mul3A_258 : vector<256x1xf32>
    %jit3A_260 = arith.constant 0x7F800000 : f32
    %broadcast_in_dim3A_261 = vector.broadcast %jit3A_260 : f32 to vector<256x2048xf32>
    %select_n3A_262 = arith.select %eq3A_246, %broadcast_in_dim3A_261, %select_n3A_241 : vector<256x2048xi1>, vector<256x2048xf32>
    %reduce_min3A_263 = arith.constant dense<0x7F800000> : vector<256xf32>
    %reduce_min3A_264 = vector.multi_reduction <minimumf>, %select_n3A_262, %reduce_min3A_263 [1] : vector<256x2048xf32> to vector<256xf32>
    %broadcast_in_dim3A_265 = vector.shape_cast %reduce_min3A_264 : vector<256xf32> to vector<256x1xf32>
    %eq3A_266 = vector.broadcast %broadcast_in_dim3A_265 : vector<256x1xf32> to vector<256x2048xf32>
    %eq3A_267 = arith.cmpf oeq, %select_n3A_262, %eq3A_266 : vector<256x2048xf32>
    %jit3A_268 = arith.constant 1.000000e+00 : f32
    %jit3A_269 = arith.constant 0.000000e+00 : f32
    %broadcast_in_dim3A_270 = vector.broadcast %jit3A_268 : f32 to vector<256x2048xf32>
    %broadcast_in_dim3A_271 = vector.broadcast %jit3A_269 : f32 to vector<256x2048xf32>
    %select_n3A_272 = arith.select %eq3A_267, %broadcast_in_dim3A_270, %broadcast_in_dim3A_271 : vector<256x2048xi1>, vector<256x2048xf32>
    %dot_general3A_273 = arith.constant dense<0.000000e+00> : vector<256x2xf32>
    %dot_general3A_274 = tpu.matmul %select_n3A_272, %concatenate3A_77, %dot_general3A_273 {dimension_numbers = #tpu.dot_dimension_numbers<[1], [0], [0], [1], [0, 0, 1, 1], [], []>, transpose_lhs_hint = false} : vector<256x2048xf32>, vector<2048x2xf32>, vector<256x2xf32> -> vector<256x2xf32>
    %slice3A_275 = vector.extract_strided_slice %dot_general3A_274 {offsets = [0, 0], sizes = [256, 1], strides = [1, 1]} : vector<256x2xf32> to vector<256x1xf32>
    %slice3A_276 = vector.extract_strided_slice %dot_general3A_274 {offsets = [0, 1], sizes = [256, 1], strides = [1, 1]} : vector<256x2xf32> to vector<256x1xf32>
    %mul3A_277 = arith.constant 1.280000e+02 : f32
    %mul3A_278 = vector.broadcast %mul3A_277 : f32 to vector<256x1xf32>
    %mul3A_279 = arith.mulf %mul3A_278, %slice3A_276 : vector<256x1xf32>
    %add3A_280 = arith.addf %slice3A_275, %mul3A_279 : vector<256x1xf32>
    %jit3A_281 = arith.constant 0x7F800000 : f32
    %broadcast_in_dim3A_282 = vector.broadcast %jit3A_281 : f32 to vector<256x2048xf32>
    %select_n3A_283 = arith.select %eq3A_267, %broadcast_in_dim3A_282, %select_n3A_262 : vector<256x2048xi1>, vector<256x2048xf32>
    %reduce_min3A_284 = arith.constant dense<0x7F800000> : vector<256xf32>
    %reduce_min3A_285 = vector.multi_reduction <minimumf>, %select_n3A_283, %reduce_min3A_284 [1] : vector<256x2048xf32> to vector<256xf32>
    %broadcast_in_dim3A_286 = vector.shape_cast %reduce_min3A_285 : vector<256xf32> to vector<256x1xf32>
    %eq3A_287 = vector.broadcast %broadcast_in_dim3A_286 : vector<256x1xf32> to vector<256x2048xf32>
    %eq3A_288 = arith.cmpf oeq, %select_n3A_283, %eq3A_287 : vector<256x2048xf32>
    %jit3A_289 = arith.constant 1.000000e+00 : f32
    %jit3A_290 = arith.constant 0.000000e+00 : f32
    %broadcast_in_dim3A_291 = vector.broadcast %jit3A_289 : f32 to vector<256x2048xf32>
    %broadcast_in_dim3A_292 = vector.broadcast %jit3A_290 : f32 to vector<256x2048xf32>
    %select_n3A_293 = arith.select %eq3A_288, %broadcast_in_dim3A_291, %broadcast_in_dim3A_292 : vector<256x2048xi1>, vector<256x2048xf32>
    %dot_general3A_294 = arith.constant dense<0.000000e+00> : vector<256x2xf32>
    %dot_general3A_295 = tpu.matmul %select_n3A_293, %concatenate3A_77, %dot_general3A_294 {dimension_numbers = #tpu.dot_dimension_numbers<[1], [0], [0], [1], [0, 0, 1, 1], [], []>, transpose_lhs_hint = false} : vector<256x2048xf32>, vector<2048x2xf32>, vector<256x2xf32> -> vector<256x2xf32>
    %slice3A_296 = vector.extract_strided_slice %dot_general3A_295 {offsets = [0, 0], sizes = [256, 1], strides = [1, 1]} : vector<256x2xf32> to vector<256x1xf32>
    %slice3A_297 = vector.extract_strided_slice %dot_general3A_295 {offsets = [0, 1], sizes = [256, 1], strides = [1, 1]} : vector<256x2xf32> to vector<256x1xf32>
    %mul3A_298 = arith.constant 1.280000e+02 : f32
    %mul3A_299 = vector.broadcast %mul3A_298 : f32 to vector<256x1xf32>
    %mul3A_300 = arith.mulf %mul3A_299, %slice3A_297 : vector<256x1xf32>
    %add3A_301 = arith.addf %slice3A_296, %mul3A_300 : vector<256x1xf32>
    %jit3A_302 = arith.constant 0x7F800000 : f32
    %broadcast_in_dim3A_303 = vector.broadcast %jit3A_302 : f32 to vector<256x2048xf32>
    %select_n3A_304 = arith.select %eq3A_288, %broadcast_in_dim3A_303, %select_n3A_283 : vector<256x2048xi1>, vector<256x2048xf32>
    %reduce_min3A_305 = arith.constant dense<0x7F800000> : vector<256xf32>
    %reduce_min3A_306 = vector.multi_reduction <minimumf>, %select_n3A_304, %reduce_min3A_305 [1] : vector<256x2048xf32> to vector<256xf32>
    %broadcast_in_dim3A_307 = vector.shape_cast %reduce_min3A_306 : vector<256xf32> to vector<256x1xf32>
    %eq3A_308 = vector.broadcast %broadcast_in_dim3A_307 : vector<256x1xf32> to vector<256x2048xf32>
    %eq3A_309 = arith.cmpf oeq, %select_n3A_304, %eq3A_308 : vector<256x2048xf32>
    %jit3A_310 = arith.constant 1.000000e+00 : f32
    %jit3A_311 = arith.constant 0.000000e+00 : f32
    %broadcast_in_dim3A_312 = vector.broadcast %jit3A_310 : f32 to vector<256x2048xf32>
    %broadcast_in_dim3A_313 = vector.broadcast %jit3A_311 : f32 to vector<256x2048xf32>
    %select_n3A_314 = arith.select %eq3A_309, %broadcast_in_dim3A_312, %broadcast_in_dim3A_313 : vector<256x2048xi1>, vector<256x2048xf32>
    %dot_general3A_315 = arith.constant dense<0.000000e+00> : vector<256x2xf32>
    %dot_general3A_316 = tpu.matmul %select_n3A_314, %concatenate3A_77, %dot_general3A_315 {dimension_numbers = #tpu.dot_dimension_numbers<[1], [0], [0], [1], [0, 0, 1, 1], [], []>, transpose_lhs_hint = false} : vector<256x2048xf32>, vector<2048x2xf32>, vector<256x2xf32> -> vector<256x2xf32>
    %slice3A_317 = vector.extract_strided_slice %dot_general3A_316 {offsets = [0, 0], sizes = [256, 1], strides = [1, 1]} : vector<256x2xf32> to vector<256x1xf32>
    %slice3A_318 = vector.extract_strided_slice %dot_general3A_316 {offsets = [0, 1], sizes = [256, 1], strides = [1, 1]} : vector<256x2xf32> to vector<256x1xf32>
    %mul3A_319 = arith.constant 1.280000e+02 : f32
    %mul3A_320 = vector.broadcast %mul3A_319 : f32 to vector<256x1xf32>
    %mul3A_321 = arith.mulf %mul3A_320, %slice3A_318 : vector<256x1xf32>
    %add3A_322 = arith.addf %slice3A_317, %mul3A_321 : vector<256x1xf32>
    %jit3A_323 = arith.constant 0x7F800000 : f32
    %broadcast_in_dim3A_324 = vector.broadcast %jit3A_323 : f32 to vector<256x2048xf32>
    %select_n3A_325 = arith.select %eq3A_309, %broadcast_in_dim3A_324, %select_n3A_304 : vector<256x2048xi1>, vector<256x2048xf32>
    %reduce_min3A_326 = arith.constant dense<0x7F800000> : vector<256xf32>
    %reduce_min3A_327 = vector.multi_reduction <minimumf>, %select_n3A_325, %reduce_min3A_326 [1] : vector<256x2048xf32> to vector<256xf32>
    %broadcast_in_dim3A_328 = vector.shape_cast %reduce_min3A_327 : vector<256xf32> to vector<256x1xf32>
    %eq3A_329 = vector.broadcast %broadcast_in_dim3A_328 : vector<256x1xf32> to vector<256x2048xf32>
    %eq3A_330 = arith.cmpf oeq, %select_n3A_325, %eq3A_329 : vector<256x2048xf32>
    %jit3A_331 = arith.constant 1.000000e+00 : f32
    %jit3A_332 = arith.constant 0.000000e+00 : f32
    %broadcast_in_dim3A_333 = vector.broadcast %jit3A_331 : f32 to vector<256x2048xf32>
    %broadcast_in_dim3A_334 = vector.broadcast %jit3A_332 : f32 to vector<256x2048xf32>
    %select_n3A_335 = arith.select %eq3A_330, %broadcast_in_dim3A_333, %broadcast_in_dim3A_334 : vector<256x2048xi1>, vector<256x2048xf32>
    %dot_general3A_336 = arith.constant dense<0.000000e+00> : vector<256x2xf32>
    %dot_general3A_337 = tpu.matmul %select_n3A_335, %concatenate3A_77, %dot_general3A_336 {dimension_numbers = #tpu.dot_dimension_numbers<[1], [0], [0], [1], [0, 0, 1, 1], [], []>, transpose_lhs_hint = false} : vector<256x2048xf32>, vector<2048x2xf32>, vector<256x2xf32> -> vector<256x2xf32>
    %slice3A_338 = vector.extract_strided_slice %dot_general3A_337 {offsets = [0, 0], sizes = [256, 1], strides = [1, 1]} : vector<256x2xf32> to vector<256x1xf32>
    %slice3A_339 = vector.extract_strided_slice %dot_general3A_337 {offsets = [0, 1], sizes = [256, 1], strides = [1, 1]} : vector<256x2xf32> to vector<256x1xf32>
    %mul3A_340 = arith.constant 1.280000e+02 : f32
    %mul3A_341 = vector.broadcast %mul3A_340 : f32 to vector<256x1xf32>
    %mul3A_342 = arith.mulf %mul3A_341, %slice3A_339 : vector<256x1xf32>
    %add3A_343 = arith.addf %slice3A_338, %mul3A_342 : vector<256x1xf32>
    %jit3A_344 = arith.constant 0x7F800000 : f32
    %broadcast_in_dim3A_345 = vector.broadcast %jit3A_344 : f32 to vector<256x2048xf32>
    %select_n3A_346 = arith.select %eq3A_330, %broadcast_in_dim3A_345, %select_n3A_325 : vector<256x2048xi1>, vector<256x2048xf32>
    %reduce_min3A_347 = arith.constant dense<0x7F800000> : vector<256xf32>
    %reduce_min3A_348 = vector.multi_reduction <minimumf>, %select_n3A_346, %reduce_min3A_347 [1] : vector<256x2048xf32> to vector<256xf32>
    %broadcast_in_dim3A_349 = vector.shape_cast %reduce_min3A_348 : vector<256xf32> to vector<256x1xf32>
    %eq3A_350 = vector.broadcast %broadcast_in_dim3A_349 : vector<256x1xf32> to vector<256x2048xf32>
    %eq3A_351 = arith.cmpf oeq, %select_n3A_346, %eq3A_350 : vector<256x2048xf32>
    %jit3A_352 = arith.constant 1.000000e+00 : f32
    %jit3A_353 = arith.constant 0.000000e+00 : f32
    %broadcast_in_dim3A_354 = vector.broadcast %jit3A_352 : f32 to vector<256x2048xf32>
    %broadcast_in_dim3A_355 = vector.broadcast %jit3A_353 : f32 to vector<256x2048xf32>
    %select_n3A_356 = arith.select %eq3A_351, %broadcast_in_dim3A_354, %broadcast_in_dim3A_355 : vector<256x2048xi1>, vector<256x2048xf32>
    %dot_general3A_357 = arith.constant dense<0.000000e+00> : vector<256x2xf32>
    %dot_general3A_358 = tpu.matmul %select_n3A_356, %concatenate3A_77, %dot_general3A_357 {dimension_numbers = #tpu.dot_dimension_numbers<[1], [0], [0], [1], [0, 0, 1, 1], [], []>, transpose_lhs_hint = false} : vector<256x2048xf32>, vector<2048x2xf32>, vector<256x2xf32> -> vector<256x2xf32>
    %slice3A_359 = vector.extract_strided_slice %dot_general3A_358 {offsets = [0, 0], sizes = [256, 1], strides = [1, 1]} : vector<256x2xf32> to vector<256x1xf32>
    %slice3A_360 = vector.extract_strided_slice %dot_general3A_358 {offsets = [0, 1], sizes = [256, 1], strides = [1, 1]} : vector<256x2xf32> to vector<256x1xf32>
    %mul3A_361 = arith.constant 1.280000e+02 : f32
    %mul3A_362 = vector.broadcast %mul3A_361 : f32 to vector<256x1xf32>
    %mul3A_363 = arith.mulf %mul3A_362, %slice3A_360 : vector<256x1xf32>
    %add3A_364 = arith.addf %slice3A_359, %mul3A_363 : vector<256x1xf32>
    %jit3A_365 = arith.constant 0x7F800000 : f32
    %broadcast_in_dim3A_366 = vector.broadcast %jit3A_365 : f32 to vector<256x2048xf32>
    %select_n3A_367 = arith.select %eq3A_351, %broadcast_in_dim3A_366, %select_n3A_346 : vector<256x2048xi1>, vector<256x2048xf32>
    %reduce_min3A_368 = arith.constant dense<0x7F800000> : vector<256xf32>
    %reduce_min3A_369 = vector.multi_reduction <minimumf>, %select_n3A_367, %reduce_min3A_368 [1] : vector<256x2048xf32> to vector<256xf32>
    %broadcast_in_dim3A_370 = vector.shape_cast %reduce_min3A_369 : vector<256xf32> to vector<256x1xf32>
    %eq3A_371 = vector.broadcast %broadcast_in_dim3A_370 : vector<256x1xf32> to vector<256x2048xf32>
    %eq3A_372 = arith.cmpf oeq, %select_n3A_367, %eq3A_371 : vector<256x2048xf32>
    %jit3A_373 = arith.constant 1.000000e+00 : f32
    %jit3A_374 = arith.constant 0.000000e+00 : f32
    %broadcast_in_dim3A_375 = vector.broadcast %jit3A_373 : f32 to vector<256x2048xf32>
    %broadcast_in_dim3A_376 = vector.broadcast %jit3A_374 : f32 to vector<256x2048xf32>
    %select_n3A_377 = arith.select %eq3A_372, %broadcast_in_dim3A_375, %broadcast_in_dim3A_376 : vector<256x2048xi1>, vector<256x2048xf32>
    %dot_general3A_378 = arith.constant dense<0.000000e+00> : vector<256x2xf32>
    %dot_general3A_379 = tpu.matmul %select_n3A_377, %concatenate3A_77, %dot_general3A_378 {dimension_numbers = #tpu.dot_dimension_numbers<[1], [0], [0], [1], [0, 0, 1, 1], [], []>, transpose_lhs_hint = false} : vector<256x2048xf32>, vector<2048x2xf32>, vector<256x2xf32> -> vector<256x2xf32>
    %slice3A_380 = vector.extract_strided_slice %dot_general3A_379 {offsets = [0, 0], sizes = [256, 1], strides = [1, 1]} : vector<256x2xf32> to vector<256x1xf32>
    %slice3A_381 = vector.extract_strided_slice %dot_general3A_379 {offsets = [0, 1], sizes = [256, 1], strides = [1, 1]} : vector<256x2xf32> to vector<256x1xf32>
    %mul3A_382 = arith.constant 1.280000e+02 : f32
    %mul3A_383 = vector.broadcast %mul3A_382 : f32 to vector<256x1xf32>
    %mul3A_384 = arith.mulf %mul3A_383, %slice3A_381 : vector<256x1xf32>
    %add3A_385 = arith.addf %slice3A_380, %mul3A_384 : vector<256x1xf32>
    %jit3A_386 = arith.constant 0x7F800000 : f32
    %broadcast_in_dim3A_387 = vector.broadcast %jit3A_386 : f32 to vector<256x2048xf32>
    %select_n3A_388 = arith.select %eq3A_372, %broadcast_in_dim3A_387, %select_n3A_367 : vector<256x2048xi1>, vector<256x2048xf32>
    %reduce_min3A_389 = arith.constant dense<0x7F800000> : vector<256xf32>
    %reduce_min3A_390 = vector.multi_reduction <minimumf>, %select_n3A_388, %reduce_min3A_389 [1] : vector<256x2048xf32> to vector<256xf32>
    %broadcast_in_dim3A_391 = vector.shape_cast %reduce_min3A_390 : vector<256xf32> to vector<256x1xf32>
    %eq3A_392 = vector.broadcast %broadcast_in_dim3A_391 : vector<256x1xf32> to vector<256x2048xf32>
    %eq3A_393 = arith.cmpf oeq, %select_n3A_388, %eq3A_392 : vector<256x2048xf32>
    %jit3A_394 = arith.constant 1.000000e+00 : f32
    %jit3A_395 = arith.constant 0.000000e+00 : f32
    %broadcast_in_dim3A_396 = vector.broadcast %jit3A_394 : f32 to vector<256x2048xf32>
    %broadcast_in_dim3A_397 = vector.broadcast %jit3A_395 : f32 to vector<256x2048xf32>
    %select_n3A_398 = arith.select %eq3A_393, %broadcast_in_dim3A_396, %broadcast_in_dim3A_397 : vector<256x2048xi1>, vector<256x2048xf32>
    %dot_general3A_399 = arith.constant dense<0.000000e+00> : vector<256x2xf32>
    %dot_general3A_400 = tpu.matmul %select_n3A_398, %concatenate3A_77, %dot_general3A_399 {dimension_numbers = #tpu.dot_dimension_numbers<[1], [0], [0], [1], [0, 0, 1, 1], [], []>, transpose_lhs_hint = false} : vector<256x2048xf32>, vector<2048x2xf32>, vector<256x2xf32> -> vector<256x2xf32>
    %slice3A_401 = vector.extract_strided_slice %dot_general3A_400 {offsets = [0, 0], sizes = [256, 1], strides = [1, 1]} : vector<256x2xf32> to vector<256x1xf32>
    %slice3A_402 = vector.extract_strided_slice %dot_general3A_400 {offsets = [0, 1], sizes = [256, 1], strides = [1, 1]} : vector<256x2xf32> to vector<256x1xf32>
    %mul3A_403 = arith.constant 1.280000e+02 : f32
    %mul3A_404 = vector.broadcast %mul3A_403 : f32 to vector<256x1xf32>
    %mul3A_405 = arith.mulf %mul3A_404, %slice3A_402 : vector<256x1xf32>
    %add3A_406 = arith.addf %slice3A_401, %mul3A_405 : vector<256x1xf32>
    %transpose3A = tpu.transpose %add3A_91, [1, 0] : vector<256x1xf32> -> vector<1x256xf32>
    %transpose3A_407 = tpu.transpose %add3A_112, [1, 0] : vector<256x1xf32> -> vector<1x256xf32>
    %transpose3A_408 = tpu.transpose %add3A_133, [1, 0] : vector<256x1xf32> -> vector<1x256xf32>
    %transpose3A_409 = tpu.transpose %add3A_154, [1, 0] : vector<256x1xf32> -> vector<1x256xf32>
    %transpose3A_410 = tpu.transpose %add3A_175, [1, 0] : vector<256x1xf32> -> vector<1x256xf32>
    %transpose3A_411 = tpu.transpose %add3A_196, [1, 0] : vector<256x1xf32> -> vector<1x256xf32>
    %transpose3A_412 = tpu.transpose %add3A_217, [1, 0] : vector<256x1xf32> -> vector<1x256xf32>
    %transpose3A_413 = tpu.transpose %add3A_238, [1, 0] : vector<256x1xf32> -> vector<1x256xf32>
    %transpose3A_414 = tpu.transpose %add3A_259, [1, 0] : vector<256x1xf32> -> vector<1x256xf32>
    %transpose3A_415 = tpu.transpose %add3A_280, [1, 0] : vector<256x1xf32> -> vector<1x256xf32>
    %transpose3A_416 = tpu.transpose %add3A_301, [1, 0] : vector<256x1xf32> -> vector<1x256xf32>
    %transpose3A_417 = tpu.transpose %add3A_322, [1, 0] : vector<256x1xf32> -> vector<1x256xf32>
    %transpose3A_418 = tpu.transpose %add3A_343, [1, 0] : vector<256x1xf32> -> vector<1x256xf32>
    %transpose3A_419 = tpu.transpose %add3A_364, [1, 0] : vector<256x1xf32> -> vector<1x256xf32>
    %transpose3A_420 = tpu.transpose %add3A_385, [1, 0] : vector<256x1xf32> -> vector<1x256xf32>
    %transpose3A_421 = tpu.transpose %add3A_406, [1, 0] : vector<256x1xf32> -> vector<1x256xf32>
    %concatenate3A_422 = tpu.concatenate %transpose3A, %transpose3A_407, %transpose3A_408, %transpose3A_409, %transpose3A_410, %transpose3A_411, %transpose3A_412, %transpose3A_413, %transpose3A_414, %transpose3A_415, %transpose3A_416, %transpose3A_417, %transpose3A_418, %transpose3A_419, %transpose3A_420, %transpose3A_421 in 0 : vector<1x256xf32>, vector<1x256xf32>, vector<1x256xf32>, vector<1x256xf32>, vector<1x256xf32>, vector<1x256xf32>, vector<1x256xf32>, vector<1x256xf32>, vector<1x256xf32>, vector<1x256xf32>, vector<1x256xf32>, vector<1x256xf32>, vector<1x256xf32>, vector<1x256xf32>, vector<1x256xf32>, vector<1x256xf32> -> vector<16x256xf32>
    %convert_element_type3A_423 = arith.fptosi %concatenate3A_422 : vector<16x256xf32> to vector<16x256xi32>
    %mul3A_424 = arith.constant 2048 : i32
    %mul3A_425 = arith.muli %arg0, %mul3A_424 : i32
    %add3A_426 = vector.broadcast %mul3A_425 : i32 to vector<16x256xi32>
    %add3A_427 = arith.addi %convert_element_type3A_423, %add3A_426 : vector<16x256xi32>
    %min3A = arith.constant 2047 : i32
    %min3A_428 = vector.broadcast %min3A : i32 to vector<16x256xi32>
    %min3A_429 = arith.minsi %add3A_427, %min3A_428 : vector<16x256xi32>
    %swap3A_430 = arith.constant 0 : index
    %swap3A_431 = arith.constant 0 : index
    %swap3A_432 = vector.load %arg13[%swap3A_430, %swap3A_431] : memref<16x256xi32, #tpu.memory_space<vmem>>, vector<16x256xi32>
    tpu.vector_store %arg13[%swap3A_430, %swap3A_431], %min3A_429 {strides = array<i32>} : memref<16x256xi32, #tpu.memory_space<vmem>>, vector<16x256xi32>,
    return
  }
  func.func @transform_0(%arg0: i32, %arg1: i32) -> (i32, i32, i32) {
    %c0_i32 = arith.constant 0 : i32
    %c0_i32_0 = arith.constant 0 : i32
    return %arg0, %arg1, %c0_i32 : i32, i32, i32
  }
  func.func @transform_1(%arg0: i32, %arg1: i32) -> (i32, i32, i32) {
    %c0_i32 = arith.constant 0 : i32
    %c0_i32_0 = arith.constant 0 : i32
    %c0_i32_1 = arith.constant 0 : i32
    return %arg0, %c0_i32, %c0_i32_0 : i32, i32, i32
  }
  func.func @transform_2(%arg0: i32, %arg1: i32) -> (i32, i32) {
    %c0_i32 = arith.constant 0 : i32
    %c0_i32_0 = arith.constant 0 : i32
    %c0_i32_1 = arith.constant 0 : i32
    return %c0_i32, %c0_i32_0 : i32, i32
  }
  func.func @transform_3(%arg0: i32, %arg1: i32) -> (i32, i32) {
    %c0_i32 = arith.constant 0 : i32
    %c0_i32_0 = arith.constant 0 : i32
    %c0_i32_1 = arith.constant 0 : i32
    return %c0_i32, %c0_i32_0 : i32, i32
  }
  func.func @transform_4(%arg0: i32, %arg1: i32) -> (i32, i32) {
    %c0_i32 = arith.constant 0 : i32
    %c0_i32_0 = arith.constant 0 : i32
    %c0_i32_1 = arith.constant 0 : i32
    return %c0_i32, %c0_i32_0 : i32, i32
  }
  func.func @transform_5(%arg0: i32, %arg1: i32) -> (i32, i32) {
    %c0_i32 = arith.constant 0 : i32
    %c0_i32_0 = arith.constant 0 : i32
    %c0_i32_1 = arith.constant 0 : i32
    return %c0_i32, %c0_i32_0 : i32, i32
  }
  func.func @transform_6(%arg0: i32, %arg1: i32) -> (i32, i32) {
    %c0_i32 = arith.constant 0 : i32
    %c0_i32_0 = arith.constant 0 : i32
    %c0_i32_1 = arith.constant 0 : i32
    return %c0_i32, %c0_i32_0 : i32, i32
  }
  func.func @transform_7(%arg0: i32, %arg1: i32) -> (i32, i32) {
    %c0_i32 = arith.constant 0 : i32
    %c0_i32_0 = arith.constant 0 : i32
    %c0_i32_1 = arith.constant 0 : i32
    return %c0_i32, %c0_i32_0 : i32, i32
  }
  func.func @transform_8(%arg0: i32, %arg1: i32) -> (i32, i32) {
    %c0_i32 = arith.constant 0 : i32
    %c0_i32_0 = arith.constant 0 : i32
    %c0_i32_1 = arith.constant 0 : i32
    return %c0_i32, %c0_i32_0 : i32, i32
  }
  func.func @transform_9(%arg0: i32, %arg1: i32) -> (i32, i32, i32) {
    %c0_i32 = arith.constant 0 : i32
    %c0_i32_0 = arith.constant 0 : i32
    return %arg0, %arg1, %c0_i32 : i32, i32, i32
  }
  func.func @transform_10(%arg0: i32, %arg1: i32) -> (i32, i32, i32) {
    %c0_i32 = arith.constant 0 : i32
    %c0_i32_0 = arith.constant 0 : i32
    return %arg0, %arg1, %c0_i32 : i32, i32, i32
  }
  func.func @transform_11(%arg0: i32, %arg1: i32) -> (i32, i32) {
    %c0_i32 = arith.constant 0 : i32
    %c0_i32_0 = arith.constant 0 : i32
    return %c0_i32, %arg1 : i32, i32
  }
}

module attributes {stable_mosaic.version = 14 : i64} {
  func.func @_stage_c_body(%arg0: i32, %arg1: i32, %arg2: memref<16x256x128xf32, #tpu.memory_space<vmem>>, %arg3: memref<1x256x256xf32, #tpu.memory_space<vmem>>, %arg4: memref<1x256x128xf32, #tpu.memory_space<vmem>>, %arg5: memref<64x256xf32, #tpu.memory_space<vmem>>, %arg6: memref<1x256xf32, #tpu.memory_space<vmem>>, %arg7: memref<64x256xf32, #tpu.memory_space<vmem>>, %arg8: memref<1x256xf32, #tpu.memory_space<vmem>>, %arg9: memref<3x256xf32, #tpu.memory_space<vmem>>, %arg10: memref<1x256xf32, #tpu.memory_space<vmem>>, %arg11: memref<256x256xf32, #tpu.memory_space<vmem>>, %arg12: memref<1x256xf32, #tpu.memory_space<vmem>>, %arg13: memref<256x256xf32, #tpu.memory_space<vmem>>, %arg14: memref<256x256xf32, #tpu.memory_space<vmem>>, %arg15: memref<1x256xf32, #tpu.memory_space<vmem>>, %arg16: memref<256x64xf32, #tpu.memory_space<vmem>>, %arg17: memref<1x64xf32, #tpu.memory_space<vmem>>, %arg18: memref<1x256x64xf32, #tpu.memory_space<vmem>>) attributes {dimension_semantics = [#tpu.dimension_semantics<arbitrary>, #tpu.dimension_semantics<arbitrary>], iteration_bounds = array<i64: 1, 8>, scalar_prefetch = 0 : i64, scratch_operands = 0 : i64, tpu.core_type = #tpu.core_type<tc>, window_params = [{transform_indices = @transform_0, window_bounds = array<i64: 16, 256, 128>}, {transform_indices = @transform_1, window_bounds = array<i64: 1, 256, 256>}, {transform_indices = @transform_2, window_bounds = array<i64: 1, 256, 128>}, {pipeline_mode = #tpu.pipeline_mode<synchronous>, transform_indices = @transform_3, window_bounds = array<i64: 64, 256>}, {pipeline_mode = #tpu.pipeline_mode<synchronous>, transform_indices = @transform_4, window_bounds = array<i64: 1, 256>}, {pipeline_mode = #tpu.pipeline_mode<synchronous>, transform_indices = @transform_5, window_bounds = array<i64: 64, 256>}, {pipeline_mode = #tpu.pipeline_mode<synchronous>, transform_indices = @transform_6, window_bounds = array<i64: 1, 256>}, {pipeline_mode = #tpu.pipeline_mode<synchronous>, transform_indices = @transform_7, window_bounds = array<i64: 3, 256>}, {pipeline_mode = #tpu.pipeline_mode<synchronous>, transform_indices = @transform_8, window_bounds = array<i64: 1, 256>}, {pipeline_mode = #tpu.pipeline_mode<synchronous>, transform_indices = @transform_9, window_bounds = array<i64: 256, 256>}, {pipeline_mode = #tpu.pipeline_mode<synchronous>, transform_indices = @transform_10, window_bounds = array<i64: 1, 256>}, {pipeline_mode = #tpu.pipeline_mode<synchronous>, transform_indices = @transform_11, window_bounds = array<i64: 256, 256>}, {pipeline_mode = #tpu.pipeline_mode<synchronous>, transform_indices = @transform_12, window_bounds = array<i64: 256, 256>}, {pipeline_mode = #tpu.pipeline_mode<synchronous>, transform_indices = @transform_13, window_bounds = array<i64: 1, 256>}, {pipeline_mode = #tpu.pipeline_mode<synchronous>, transform_indices = @transform_14, window_bounds = array<i64: 256, 64>}, {pipeline_mode = #tpu.pipeline_mode<synchronous>, transform_indices = @transform_15, window_bounds = array<i64: 1, 64>}, {transform_indices = @transform_16, window_bounds = array<i64: 1, 256, 64>}]} {
    %get3A = arith.constant 0 : index
    %get3A_0 = arith.constant 0 : index
    %get3A_1 = arith.constant 0 : index
    %get3A_2 = vector.load %arg2[%get3A, %get3A_0, %get3A_1] : memref<16x256x128xf32, #tpu.memory_space<vmem>>, vector<16x256x128xf32>
    %slice3A = vector.extract_strided_slice %get3A_2 {offsets = [0, 0, 0], sizes = [16, 256, 64], strides = [1, 1, 1]} : vector<16x256x128xf32> to vector<16x256x64xf32>
    %reshape3A = vector.shape_cast %slice3A : vector<16x256x64xf32> to vector<4096x64xf32>
    %slice3A_3 = vector.extract_strided_slice %get3A_2 {offsets = [0, 0, 64], sizes = [16, 256, 3], strides = [1, 1, 1]} : vector<16x256x128xf32> to vector<16x256x3xf32>
    %reshape3A_4 = vector.shape_cast %slice3A_3 : vector<16x256x3xf32> to vector<4096x3xf32>
    %get3A_5 = arith.constant 0 : index
    %get3A_6 = arith.constant 0 : index
    %get3A_7 = vector.load %arg5[%get3A_5, %get3A_6] : memref<64x256xf32, #tpu.memory_space<vmem>>, vector<64x256xf32>
    %dot_general3A = arith.constant dense<0.000000e+00> : vector<4096x256xf32>
    %dot_general3A_8 = tpu.matmul %reshape3A, %get3A_7, %dot_general3A {dimension_numbers = #tpu.dot_dimension_numbers<[1], [0], [0], [1], [0, 0, 1, 1], [], []>, transpose_lhs_hint = false} : vector<4096x64xf32>, vector<64x256xf32>, vector<4096x256xf32> -> vector<4096x256xf32>
    %get3A_9 = arith.constant 0 : index
    %get3A_10 = arith.constant 0 : index
    %get3A_11 = vector.load %arg7[%get3A_9, %get3A_10] : memref<64x256xf32, #tpu.memory_space<vmem>>, vector<64x256xf32>
    %dot_general3A_12 = arith.constant dense<0.000000e+00> : vector<4096x256xf32>
    %dot_general3A_13 = tpu.matmul %reshape3A, %get3A_11, %dot_general3A_12 {dimension_numbers = #tpu.dot_dimension_numbers<[1], [0], [0], [1], [0, 0, 1, 1], [], []>, transpose_lhs_hint = false} : vector<4096x64xf32>, vector<64x256xf32>, vector<4096x256xf32> -> vector<4096x256xf32>
    %get3A_14 = arith.constant 0 : index
    %get3A_15 = arith.constant 0 : index
    %get3A_16 = vector.load %arg8[%get3A_14, %get3A_15] : memref<1x256xf32, #tpu.memory_space<vmem>>, vector<1x256xf32>
    %add3A = vector.broadcast %get3A_16 : vector<1x256xf32> to vector<4096x256xf32>
    %add3A_17 = arith.addf %dot_general3A_13, %add3A : vector<4096x256xf32>
    %get3A_18 = arith.constant 0 : index
    %get3A_19 = arith.constant 0 : index
    %get3A_20 = arith.constant 0 : index
    %get3A_21 = vector.load %arg4[%get3A_18, %get3A_19, %get3A_20] : memref<1x256x128xf32, #tpu.memory_space<vmem>>, vector<1x256x128xf32>
    %get3A_22 = vector.shape_cast %get3A_21 : vector<1x256x128xf32> to vector<256x128xf32>
    %slice3A_23 = vector.extract_strided_slice %get3A_22 {offsets = [0, 64], sizes = [256, 3], strides = [1, 1]} : vector<256x128xf32> to vector<256x3xf32>
    %broadcast_in_dim3A = vector.shape_cast %slice3A_23 : vector<256x3xf32> to vector<1x256x3xf32>
    %broadcast_in_dim3A_24 = vector.shape_cast %broadcast_in_dim3A : vector<1x256x3xf32> to vector<1x256x3xf32>
    %broadcast_in_dim3A_25 = vector.broadcast %broadcast_in_dim3A_24 : vector<1x256x3xf32> to vector<16x256x3xf32>
    %reshape3A_26 = vector.shape_cast %broadcast_in_dim3A_25 : vector<16x256x3xf32> to vector<4096x3xf32>
    %sub3A = arith.subf %reshape3A_26, %reshape3A_4 : vector<4096x3xf32>
    %get3A_27 = arith.constant 0 : index
    %get3A_28 = arith.constant 0 : index
    %get3A_29 = vector.load %arg9[%get3A_27, %get3A_28] : memref<3x256xf32, #tpu.memory_space<vmem>>, vector<3x256xf32>
    %dot_general3A_30 = arith.constant dense<0.000000e+00> : vector<4096x256xf32>
    %dot_general3A_31 = tpu.matmul %sub3A, %get3A_29, %dot_general3A_30 {dimension_numbers = #tpu.dot_dimension_numbers<[1], [0], [0], [1], [0, 0, 1, 1], [], []>, transpose_lhs_hint = false} : vector<4096x3xf32>, vector<3x256xf32>, vector<4096x256xf32> -> vector<4096x256xf32>
    %get3A_32 = arith.constant 0 : index
    %get3A_33 = arith.constant 0 : index
    %get3A_34 = vector.load %arg10[%get3A_32, %get3A_33] : memref<1x256xf32, #tpu.memory_space<vmem>>, vector<1x256xf32>
    %add3A_35 = vector.broadcast %get3A_34 : vector<1x256xf32> to vector<4096x256xf32>
    %add3A_36 = arith.addf %dot_general3A_31, %add3A_35 : vector<4096x256xf32>
    %max3A = arith.constant 0.000000e+00 : f32
    %max3A_37 = vector.broadcast %max3A : f32 to vector<4096x256xf32>
    %max3A_38 = arith.maximumf %add3A_36, %max3A_37 : vector<4096x256xf32>
    %get3A_39 = arith.constant 0 : index
    %get3A_40 = arith.constant 0 : index
    %get3A_41 = vector.load %arg11[%get3A_39, %get3A_40] : memref<256x256xf32, #tpu.memory_space<vmem>>, vector<256x256xf32>
    %dot_general3A_42 = arith.constant dense<0.000000e+00> : vector<4096x256xf32>
    %dot_general3A_43 = tpu.matmul %max3A_38, %get3A_41, %dot_general3A_42 {dimension_numbers = #tpu.dot_dimension_numbers<[1], [0], [0], [1], [0, 0, 1, 1], [], []>, transpose_lhs_hint = false} : vector<4096x256xf32>, vector<256x256xf32>, vector<4096x256xf32> -> vector<4096x256xf32>
    %get3A_44 = arith.constant 0 : index
    %get3A_45 = arith.constant 0 : index
    %get3A_46 = vector.load %arg12[%get3A_44, %get3A_45] : memref<1x256xf32, #tpu.memory_space<vmem>>, vector<1x256xf32>
    %add3A_47 = vector.broadcast %get3A_46 : vector<1x256xf32> to vector<4096x256xf32>
    %add3A_48 = arith.addf %dot_general3A_43, %add3A_47 : vector<4096x256xf32>
    %get3A_49 = arith.constant 0 : index
    %get3A_50 = arith.constant 0 : index
    %get3A_51 = vector.load %arg13[%get3A_49, %get3A_50] : memref<256x256xf32, #tpu.memory_space<vmem>>, vector<256x256xf32>
    %dot_general3A_52 = arith.constant dense<0.000000e+00> : vector<4096x256xf32>
    %dot_general3A_53 = tpu.matmul %max3A_38, %get3A_51, %dot_general3A_52 {dimension_numbers = #tpu.dot_dimension_numbers<[1], [0], [0], [1], [0, 0, 1, 1], [], []>, transpose_lhs_hint = false} : vector<4096x256xf32>, vector<256x256xf32>, vector<4096x256xf32> -> vector<4096x256xf32>
    %get3A_54 = arith.constant 0 : index
    %get3A_55 = arith.constant 0 : index
    %get3A_56 = arith.constant 0 : index
    %get3A_57 = vector.load %arg3[%get3A_54, %get3A_55, %get3A_56] : memref<1x256x256xf32, #tpu.memory_space<vmem>>, vector<1x256x256xf32>
    %get3A_58 = vector.shape_cast %get3A_57 : vector<1x256x256xf32> to vector<256x256xf32>
    %broadcast_in_dim3A_59 = vector.shape_cast %get3A_58 : vector<256x256xf32> to vector<1x256x256xf32>
    %broadcast_in_dim3A_60 = vector.shape_cast %broadcast_in_dim3A_59 : vector<1x256x256xf32> to vector<1x256x256xf32>
    %broadcast_in_dim3A_61 = vector.broadcast %broadcast_in_dim3A_60 : vector<1x256x256xf32> to vector<16x256x256xf32>
    %reshape3A_62 = vector.shape_cast %broadcast_in_dim3A_61 : vector<16x256x256xf32> to vector<4096x256xf32>
    %sub3A_63 = arith.subf %reshape3A_62, %dot_general3A_8 : vector<4096x256xf32>
    %add3A_64 = arith.addf %sub3A_63, %dot_general3A_53 : vector<4096x256xf32>
    %get3A_65 = arith.constant 0 : index
    %get3A_66 = arith.constant 0 : index
    %get3A_67 = vector.load %arg6[%get3A_65, %get3A_66] : memref<1x256xf32, #tpu.memory_space<vmem>>, vector<1x256xf32>
    %add3A_68 = vector.broadcast %get3A_67 : vector<1x256xf32> to vector<4096x256xf32>
    %add3A_69 = arith.addf %add3A_64, %add3A_68 : vector<4096x256xf32>
    %max3A_70 = arith.constant 0.000000e+00 : f32
    %max3A_71 = vector.broadcast %max3A_70 : f32 to vector<4096x256xf32>
    %max3A_72 = arith.maximumf %add3A_69, %max3A_71 : vector<4096x256xf32>
    %get3A_73 = arith.constant 0 : index
    %get3A_74 = arith.constant 0 : index
    %get3A_75 = vector.load %arg14[%get3A_73, %get3A_74] : memref<256x256xf32, #tpu.memory_space<vmem>>, vector<256x256xf32>
    %dot_general3A_76 = arith.constant dense<0.000000e+00> : vector<4096x256xf32>
    %dot_general3A_77 = tpu.matmul %max3A_72, %get3A_75, %dot_general3A_76 {dimension_numbers = #tpu.dot_dimension_numbers<[1], [0], [0], [1], [0, 0, 1, 1], [], []>, transpose_lhs_hint = false} : vector<4096x256xf32>, vector<256x256xf32>, vector<4096x256xf32> -> vector<4096x256xf32>
    %get3A_78 = arith.constant 0 : index
    %get3A_79 = arith.constant 0 : index
    %get3A_80 = vector.load %arg15[%get3A_78, %get3A_79] : memref<1x256xf32, #tpu.memory_space<vmem>>, vector<1x256xf32>
    %add3A_81 = vector.broadcast %get3A_80 : vector<1x256xf32> to vector<4096x256xf32>
    %add3A_82 = arith.addf %dot_general3A_77, %add3A_81 : vector<4096x256xf32>
    %reshape3A_83 = vector.shape_cast %add3A_82 : vector<4096x256xf32> to vector<16x256x256xf32>
    %reduce_max3A = arith.constant dense<0xFF800000> : vector<256x256xf32>
    %reduce_max3A_84 = vector.multi_reduction <maximumf>, %reshape3A_83, %reduce_max3A [0] : vector<16x256x256xf32> to vector<256x256xf32>
    %broadcast_in_dim3A_85 = vector.shape_cast %reduce_max3A_84 : vector<256x256xf32> to vector<1x256x256xf32>
    %sub3A_86 = vector.broadcast %broadcast_in_dim3A_85 : vector<1x256x256xf32> to vector<16x256x256xf32>
    %sub3A_87 = arith.subf %reshape3A_83, %sub3A_86 : vector<16x256x256xf32>
    %exp3A = math.exp %sub3A_87 : vector<16x256x256xf32>
    %add3A_88 = arith.addf %add3A_17, %add3A_48 : vector<4096x256xf32>
    %reshape3A_89 = vector.shape_cast %add3A_88 : vector<4096x256xf32> to vector<16x256x256xf32>
    %mul3A = arith.mulf %exp3A, %reshape3A_89 : vector<16x256x256xf32>
    %reduce_sum3A = arith.constant dense<0.000000e+00> : vector<256x256xf32>
    %reduce_sum3A_90 = vector.multi_reduction <add>, %mul3A, %reduce_sum3A [0] : vector<16x256x256xf32> to vector<256x256xf32>
    %reduce_sum3A_91 = arith.constant dense<0.000000e+00> : vector<256x256xf32>
    %reduce_sum3A_92 = vector.multi_reduction <add>, %exp3A, %reduce_sum3A_91 [0] : vector<16x256x256xf32> to vector<256x256xf32>
    %div3A = arith.divf %reduce_sum3A_90, %reduce_sum3A_92 : vector<256x256xf32>
    %get3A_93 = arith.constant 0 : index
    %get3A_94 = arith.constant 0 : index
    %get3A_95 = vector.load %arg16[%get3A_93, %get3A_94] : memref<256x64xf32, #tpu.memory_space<vmem>>, vector<256x64xf32>
    %dot_general3A_96 = arith.constant dense<0.000000e+00> : vector<256x64xf32>
    %dot_general3A_97 = tpu.matmul %div3A, %get3A_95, %dot_general3A_96 {dimension_numbers = #tpu.dot_dimension_numbers<[1], [0], [0], [1], [0, 0, 1, 1], [], []>, transpose_lhs_hint = false} : vector<256x256xf32>, vector<256x64xf32>, vector<256x64xf32> -> vector<256x64xf32>
    %get3A_98 = arith.constant 0 : index
    %get3A_99 = arith.constant 0 : index
    %get3A_100 = vector.load %arg17[%get3A_98, %get3A_99] : memref<1x64xf32, #tpu.memory_space<vmem>>, vector<1x64xf32>
    %add3A_101 = vector.broadcast %get3A_100 : vector<1x64xf32> to vector<256x64xf32>
    %add3A_102 = arith.addf %dot_general3A_97, %add3A_101 : vector<256x64xf32>
    %slice3A_103 = vector.extract_strided_slice %get3A_22 {offsets = [0, 0], sizes = [256, 64], strides = [1, 1]} : vector<256x128xf32> to vector<256x64xf32>
    %add3A_104 = arith.addf %add3A_102, %slice3A_103 : vector<256x64xf32>
    %swap3A = arith.constant 0 : index
    %swap3A_105 = arith.constant 0 : index
    %swap3A_106 = arith.constant 0 : index
    %swap3A_107 = vector.load %arg18[%swap3A, %swap3A_105, %swap3A_106] : memref<1x256x64xf32, #tpu.memory_space<vmem>>, vector<1x256x64xf32>
    %swap3A_108 = vector.shape_cast %swap3A_107 : vector<1x256x64xf32> to vector<256x64xf32>
    %swap3A_109 = vector.shape_cast %add3A_104 : vector<256x64xf32> to vector<1x256x64xf32>
    tpu.vector_store %arg18[%swap3A, %swap3A_105, %swap3A_106], %swap3A_109 {strides = array<i32>} : memref<1x256x64xf32, #tpu.memory_space<vmem>>, vector<1x256x64xf32>,
    return
  }
  func.func @transform_0(%arg0: i32, %arg1: i32) -> (i32, i32, i32) {
    %c0_i32 = arith.constant 0 : i32
    %c0_i32_0 = arith.constant 0 : i32
    %c0_i32_1 = arith.constant 0 : i32
    return %c0_i32, %arg1, %c0_i32_0 : i32, i32, i32
  }
  func.func @transform_1(%arg0: i32, %arg1: i32) -> (i32, i32, i32) {
    %c0_i32 = arith.constant 0 : i32
    %c0_i32_0 = arith.constant 0 : i32
    return %arg0, %arg1, %c0_i32 : i32, i32, i32
  }
  func.func @transform_2(%arg0: i32, %arg1: i32) -> (i32, i32, i32) {
    %c0_i32 = arith.constant 0 : i32
    %c0_i32_0 = arith.constant 0 : i32
    return %arg0, %arg1, %c0_i32 : i32, i32, i32
  }
  func.func @transform_3(%arg0: i32, %arg1: i32) -> (i32, i32) {
    %c0_i32 = arith.constant 0 : i32
    %c0_i32_0 = arith.constant 0 : i32
    %c0_i32_1 = arith.constant 0 : i32
    return %c0_i32, %c0_i32_0 : i32, i32
  }
  func.func @transform_4(%arg0: i32, %arg1: i32) -> (i32, i32) {
    %c0_i32 = arith.constant 0 : i32
    %c0_i32_0 = arith.constant 0 : i32
    %c0_i32_1 = arith.constant 0 : i32
    return %c0_i32, %c0_i32_0 : i32, i32
  }
  func.func @transform_5(%arg0: i32, %arg1: i32) -> (i32, i32) {
    %c0_i32 = arith.constant 0 : i32
    %c0_i32_0 = arith.constant 0 : i32
    %c0_i32_1 = arith.constant 0 : i32
    return %c0_i32, %c0_i32_0 : i32, i32
  }
  func.func @transform_6(%arg0: i32, %arg1: i32) -> (i32, i32) {
    %c0_i32 = arith.constant 0 : i32
    %c0_i32_0 = arith.constant 0 : i32
    %c0_i32_1 = arith.constant 0 : i32
    return %c0_i32, %c0_i32_0 : i32, i32
  }
  func.func @transform_7(%arg0: i32, %arg1: i32) -> (i32, i32) {
    %c0_i32 = arith.constant 0 : i32
    %c0_i32_0 = arith.constant 0 : i32
    %c0_i32_1 = arith.constant 0 : i32
    return %c0_i32, %c0_i32_0 : i32, i32
  }
  func.func @transform_8(%arg0: i32, %arg1: i32) -> (i32, i32) {
    %c0_i32 = arith.constant 0 : i32
    %c0_i32_0 = arith.constant 0 : i32
    %c0_i32_1 = arith.constant 0 : i32
    return %c0_i32, %c0_i32_0 : i32, i32
  }
  func.func @transform_9(%arg0: i32, %arg1: i32) -> (i32, i32) {
    %c0_i32 = arith.constant 0 : i32
    %c0_i32_0 = arith.constant 0 : i32
    %c0_i32_1 = arith.constant 0 : i32
    return %c0_i32, %c0_i32_0 : i32, i32
  }
  func.func @transform_10(%arg0: i32, %arg1: i32) -> (i32, i32) {
    %c0_i32 = arith.constant 0 : i32
    %c0_i32_0 = arith.constant 0 : i32
    %c0_i32_1 = arith.constant 0 : i32
    return %c0_i32, %c0_i32_0 : i32, i32
  }
  func.func @transform_11(%arg0: i32, %arg1: i32) -> (i32, i32) {
    %c0_i32 = arith.constant 0 : i32
    %c0_i32_0 = arith.constant 0 : i32
    %c0_i32_1 = arith.constant 0 : i32
    return %c0_i32, %c0_i32_0 : i32, i32
  }
  func.func @transform_12(%arg0: i32, %arg1: i32) -> (i32, i32) {
    %c0_i32 = arith.constant 0 : i32
    %c0_i32_0 = arith.constant 0 : i32
    %c0_i32_1 = arith.constant 0 : i32
    return %c0_i32, %c0_i32_0 : i32, i32
  }
  func.func @transform_13(%arg0: i32, %arg1: i32) -> (i32, i32) {
    %c0_i32 = arith.constant 0 : i32
    %c0_i32_0 = arith.constant 0 : i32
    %c0_i32_1 = arith.constant 0 : i32
    return %c0_i32, %c0_i32_0 : i32, i32
  }
  func.func @transform_14(%arg0: i32, %arg1: i32) -> (i32, i32) {
    %c0_i32 = arith.constant 0 : i32
    %c0_i32_0 = arith.constant 0 : i32
    %c0_i32_1 = arith.constant 0 : i32
    return %c0_i32, %c0_i32_0 : i32, i32
  }
  func.func @transform_15(%arg0: i32, %arg1: i32) -> (i32, i32) {
    %c0_i32 = arith.constant 0 : i32
    %c0_i32_0 = arith.constant 0 : i32
    %c0_i32_1 = arith.constant 0 : i32
    return %c0_i32, %c0_i32_0 : i32, i32
  }
  func.func @transform_16(%arg0: i32, %arg1: i32) -> (i32, i32, i32) {
    %c0_i32 = arith.constant 0 : i32
    %c0_i32_0 = arith.constant 0 : i32
    return %arg0, %arg1, %c0_i32 : i32, i32, i32
  }
}

</mosaic_0001>

<sc_bundles>
// kernel: kernel.11.cloned.1.call-start
scs
__scs_entry_jumppad:
0x0: {  	(pc) =	sbr.rel $0x88, $3  }
0x1: {  	(tag) =	ssettag $0x0;
	lr =	simm.s32 $0x1  }
0x2: {  	[smem:$0x3F8D] =	sst lr;
	_ =	strace $0xD0000000  }
0x3: {  	_ = 	snop  }
0x4: {  	_ = 	snop  }
0x5: {  	_ = 	snop  }
0x6: {  	_ = 	snop  }
0x7: {  	_ = 	snop  }
__scs_overlays_trampoline_lowered:
0x8: {  	[smem:$0x3F9C] =	sst s0  }
0x9: {  	[smem:$0x3F9D] =	sst s1  }
0xa: {  	[smem:$0x3F9E] =	sst s2  }
0xb: {  	[smem:$0x3F9F] =	sst s3  }
0xc: {  	[smem:$0x3FA0] =	sst s4  }
0xd: {  	[smem:$0x3FA1] =	sst s5  }
0xe: {  	[smem:$0x3FA2] =	sst s6  }
0xf: {  	[smem:$0x3FA3] =	sst s7  }
0x10: {  	[smem:$0x3FA4] =	sst s8  }
0x11: {  	[smem:$0x3FA5] =	sst s9;
	s0 =	simm.s32 @!p0 $0x0  }
0x12: {  	s1 =	sld [smem:$0x3F8B];
	s0 =	simm.s32 @p0 $0x1  }
0x13: {  	[smem:$0x3FA6] =	sst s0;
	s0 =	simm.s32 @!p1 $0x0  }
0x14: {  	s2 =	sld [smem:$0x3F8A];
	s0 =	simm.s32 @p1 $0x1  }
0x15: {  	[smem:$0x3FA7] =	sst s0;
	s0 =	simm.s32 @!p2 $0x0  }
0x16: {  	s3 =	sld [smem:$0x3FDB];
	s0 =	simm.s32 @p2 $0x1  }
0x17: {  	s4 =	simm.s32 $0x1BF5;
	[smem:$0x3FA9] =	sst s0  }
0x18: {  	s0 =	sld [smem:$0x3F8C];
	_ =	swait.ge [sflag:s4], $0x0  }
0x19: {  	s7 =	sld [smem:$0x3F8D]  }
0x1a: {  	s8 =	sadd.s32 $0xFFFFE003, lr  }
0x1b: {  	s9 =	sadd.s32 $0xFFFFFEF7, lr;
	s5 =	simm.s32 $0xFFFFFFFF;
	p2 =	slt.u32 s8, $0xFFFFF086  }
0x1c: {  	p1 =	slt.u32 s9, $0xF7A;
	s5 =	simm.s32 @!p2 $0x0  }
0x1d: {  	s5 =	simm.s32 @p1 $0x1;
	p0 =	seq.s32 s7, s2  }
0x1e: {  	s7 =	smul.u32 @!p0 $0xF7A, s2;
	p2 =	seq.s32 @!p0 s5, $0x0  }
0x1f: {  	s9 =	smul.u32 $0xF7A, s1;
	s8 =	simm.s32 @!p0 $0x1BF5;
	p2 =	por !p2, p0  }
0x20: {  	[sflag:s8] =	ssyncset.s32 @!p0 $0xFFFFF086;
	s6 =	sadd.s32 @!p0 s3, s7;
	s7 =	simm.s32 @!p0 $0x108  }
0x21: {  	s3 =	sadd.s32 s3, s9;
	s6 =	sadd.s32 @!p0 $0x88, s6;
	s7 =	simm.s32 @p2 $0x1082  }
0x22: {  	[simem:s7], [sflag:s8] =	dma.local @!p0 [hbm:s6], $0xF7A  }
0x23: {  	s9 =	sor.u32 $0xD0000000, s2;
	s6 =	simm.s32 $0x108;
	_ =	swait.ge @!p0 [sflag:s8], $0x0  }
0x24: {  	s3 =	sadd.s32 $0x88, s3;
	s6 =	simm.s32 @!p1 $0x1082;
	[sflag:s4] =	ssyncset.s32 $0xFFFFF086  }
0x25: {  	[simem:s6], [sflag:s4] =	dma.local [hbm:s3], $0xF7A  }
0x26: {  	[smem:$0x3F8D] =	sst s1;
	(tag) =	ssettag s2;
	_ =	strace s9  }
0x27: {  	s1 =	sld [smem:$0x3F9D]  }
0x28: {  	s2 =	sld [smem:$0x3F9E]  }
0x29: {  	s4 =	sld [smem:$0x3FA0]  }
0x2a: {  	p0 =	seq.s32 s5, $0x0;
	s5 =	sld [smem:$0x3FA1]  }
0x2b: {  	s6 =	sld [smem:$0x3FA2]  }
0x2c: {  	s7 =	sld [smem:$0x3FA3]  }
0x2d: {  	s3 =	simm.s32 $0x108;
	s8 =	sld [smem:$0x3FA4]  }
0x2e: {  	s3 =	simm.s32 @!p0 $0x1082;
	s9 =	sld [smem:$0x3FA5]  }
0x2f: {  	lr =	sadd.s32 s0, s3;
	s0 =	sld [smem:$0x3F9C]  }
0x30: {  	s3 =	sld [smem:$0x3F9F]  }
0x31: {  	[smem:$0x3FA8] =	sst s10  }
0x32: {  	s10 =	sld [smem:$0x3FA6];
	_ =	sdelay $0x3  }
0x33: {  	p0 =	seq.s32 s10, $0x1;
	s10 =	sld [smem:$0x3FA8];
	_ =	sdelay $0x3  }
0x34: {  	[smem:$0x3FA8] =	sst s10  }
0x35: {  	s10 =	sld [smem:$0x3FA7];
	_ =	sdelay $0x3  }
0x36: {  	p1 =	seq.s32 s10, $0x1;
	s10 =	sld [smem:$0x3FA8];
	_ =	sdelay $0x3  }
0x37: {  	[smem:$0x3FA8] =	sst s10  }
0x38: {  	s10 =	sld [smem:$0x3FA9]  }
0x39: {  	_ = 	snop;
	(pc) =	sbr.ind lr, $3  }
0x3a: {  	_ = 	snop  }
0x3b: {  	_ = 	snop  }
0x3c: {  	p2 =	seq.s32 s10, $0x1;
	s10 =	sld [smem:$0x3FA8]  }
0x3d: {  	_ =	shalt  }
0x3e: {  	_ =	shalt  }
0x3f: {  	_ =	shalt  }
0x40: {  	_ =	shalt  }
0x41: {  	_ =	shalt  }
0x42: {  	_ =	shalt  }
0x43: {  	_ =	shalt  }
0x44: {  	_ =	shalt  }
0x45: {  	_ =	shalt  }
0x46: {  	_ =	shalt  }
0x47: {  	_ =	shalt  }
0x48: {  	_ =	shalt  }
0x49: {  	_ =	shalt  }
0x4a: {  	_ =	shalt  }
0x4b: {  	_ =	shalt  }
0x4c: {  	_ =	shalt  }
0x4d: {  	_ =	shalt  }
0x4e: {  	_ =	shalt  }
0x4f: {  	_ =	shalt  }
0x50: {  	_ =	shalt  }
0x51: {  	_ =	shalt  }
0x52: {  	_ =	shalt  }
0x53: {  	_ =	shalt  }
0x54: {  	_ =	shalt  }
0x55: {  	_ =	shalt  }
0x56: {  	_ =	shalt  }
0x57: {  	_ =	shalt  }
0x58: {  	_ =	shalt  }
0x59: {  	_ =	shalt  }
0x5a: {  	_ =	shalt  }
0x5b: {  	_ =	shalt  }
0x5c: {  	_ =	shalt  }
0x5d: {  	_ =	shalt  }
0x5e: {  	_ =	shalt  }
0x5f: {  	_ =	shalt  }
0x60: {  	_ =	shalt  }
0x61: {  	_ =	shalt  }
0x62: {  	_ =	shalt  }
0x63: {  	_ =	shalt  }
0x64: {  	_ =	shalt  }
0x65: {  	_ =	shalt  }
0x66: {  	_ =	shalt  }
0x67: {  	_ =	shalt  }
0x68: {  	_ =	shalt  }
0x69: {  	_ =	shalt  }
0x6a: {  	_ =	shalt  }
0x6b: {  	_ =	shalt  }
0x6c: {  	_ =	shalt  }
0x6d: {  	_ =	shalt  }
0x6e: {  	_ =	shalt  }
0x6f: {  	_ =	shalt  }
0x70: {  	_ =	shalt  }
0x71: {  	_ =	shalt  }
0x72: {  	_ =	shalt  }
0x73: {  	_ =	shalt  }
0x74: {  	_ =	shalt  }
0x75: {  	_ =	shalt  }
0x76: {  	_ =	shalt  }
0x77: {  	_ =	shalt  }
0x78: {  	_ =	shalt  }
0x79: {  	_ =	shalt  }
0x7a: {  	_ =	shalt  }
0x7b: {  	_ =	shalt  }
0x7c: {  	_ =	shalt  }
0x7d: {  	_ =	shalt  }
0x7e: {  	_ =	shalt  }
0x7f: {  	_ =	shalt  }
0x80: {  	_ =	shalt  }
0x81: {  	_ =	shalt  }
0x82: {  	_ =	shalt  }
0x83: {  	_ =	shalt  }
0x84: {  	_ =	shalt  }
0x85: {  	_ =	shalt  }
0x86: {  	_ =	shalt  }
0x87: {  	_ =	shalt  }
.Lfunc_end0:
.L_simem_size_0:
called_computation.1_lowered:
.L_overlay_start_0:
0x88: {  	s2 =	sld [smem:$0x3FD9]  }
0x89: {  	s3 =	sld [smem:$0x3FFE];
	_ =	sdelay $0x1  }
0x8a: {  	s1 =	srdreg.scid  }
0x8b: {  	s0 =	sand.u32 $0x1, s1  }
0x8c: {  	s17 =	sshll.u32 s0, $0xA;
	s2 =	sadd.s32 s3, s2  }
0x8d: {  	s2 =	sadd.s32 s2, s17  }
0x8e: {  	[smem:$0x3FB4] =	sst s2  }
0x8f: {  	_ = 	snop  }
0x90: {  	s18 =	sld [smem:$0x3FD0];
	(tm) =	ssettm $0x1  }
0x91: {  	s19 =	sld [smem:$0x3FFB];
	_ =	sdelay $0x3  }
0x92: {  	_ =	strace s19  }
0x93: {  	s2 =	sld [smem:$0x3FFC];
	_ =	sdelay $0x3  }
0x94: {  	_ =	strace s2  }
0x95: {  	s2 =	sld [smem:$0x3FFD];
	_ =	sdelay $0x3  }
0x96: {  	_ =	strace s2  }
0x97: {  	_ =	strace $0x8FFFFFFF  }
0x98: {  	s20 =	sld [smem:$0x3FDB];
	_ =	sdelay $0x1  }
0x99: {  	s4 =	simm.s32 $_scs_section_size  }
0x9a: {  	s5 =	simm.s32 $_size__tile_overlayer_lowered;
	s6 =	simm.s32 $_tile_overlayer_lowered  }
0x9b: {  	s7 =	simm.s32 $0x1BFF;
	s21 =	sshll.u32 s6, $0x1;
	s4 =	sadd.s32 s4, s20  }
0x9c: {  	s22 =	simm.s32 $0x0;
	s5 =	sshll.u32 s5, $0x1;
	s6 =	sadd.s32 s21, s4  }
0x9d: {  	[timem:s22], [sflag:s7] =	dma.local [hbm:s6], s5  }
0x9e: {  	_ =	swait.ge [sflag:s7], s5  }
0x9f: {  	s5 =	ssub.s32 $0x0, s5;
	[sflag:s7] =	ssyncset.done $0x0  }
0xa0: {  	[sflag:s7] =	ssyncadd.s32 s5;
	_ =	sdelay $0x1  }
0xa1: {  	s23 =	simm.s32 $0x1B8B  }
0xa2: {  	_ =	swait.ge [sflag:s23], $0x1  }
0xa3: {  	[sflag:s23] =	ssyncset.done $0x0  }
0xa4: {  	[sflag:s23] =	ssyncadd.s32 $0xFFFFFFFF  }
0xa5: {  	s5 =	sld [smem:$0x0]  }
0xa6: {  	s6 =	sand.u32 $0xFFFFFFFE, s1  }
0xa7: {  	p0 =	sne.s32 s1, s6  }
0xa8: {  	s6 =	sshll.u32 @p0 s6, $0xE  }
0xa9: {  	s6 =	sadd.s32 @p0 $0x11B8D, s6;
	s7 =	sshll.u32 @p0 s5, $0x11  }
0xaa: {  	s6 =	sor.u32 @p0 s7, s6  }
0xab: {  	[sflag:s6] =	ssyncadd.remote.s32 @p0 $0x1;
	_ =	sdelay $0x1  }
0xac: {  	s6 =	simm.s32 @p0 $0x1B8D  }
0xad: {  	_ =	swait.eq @p0 [sflag:s6], $0x1  }
0xae: {  	[sflag:s6] =	ssyncadd.s32 @p0 $0xFFFFFFFF  }
0xaf: {  	s7 =	sshll.u32 @!p0 s1, $0xE  }
0xb0: {  	s7 =	sor.u32 @!p0 $0x4000, s7;
	s6 =	simm.s32 @!p0 $0x1B8D  }
0xb1: {  	s5 =	sshll.u32 @!p0 s5, $0x11;
	s7 =	sadd.s32 @!p0 $0x11B8D, s7;
	_ =	swait.eq @!p0 [sflag:s6], $0x1  }
0xb2: {  	s5 =	sor.u32 @!p0 s5, s7;
	[sflag:s6] =	ssyncadd.s32 @!p0 $0xFFFFFFFF  }
0xb3: {  	s25 =	simm.s32 $0x1B8E;
	s24 =	sld [smem:$0x3FFE];
	[sflag:s5] =	ssyncadd.remote.s32 @!p0 $0x1  }
0xb4: {  	s26 =	simm.s32 $execute0_lowered;
	[smem:$0x3FD2] =	sst s25  }
0xb5: {  	s6 =	sshll.u32 s26, $0x1;
	_ =	strace $0x80000049;
	[dreg:$0x1] =	wrdreg $0xFFFFFFFF  }
0xb6: {  	s28 =	simm.s32 $_size_execute0_lowered;
	s4 =	sadd.s32 s4, s6;
	[dreg:$0x0] =	wrdreg $0x0  }
0xb7: {  	s6 =	sshll.u32 s28, $0x1;
	[dreg:$0x2] =	wrdreg s4  }
0xb8: {  	[dreg:$0x3] =	wrdreg s6  }
0xb9: {  	[dreg:$0x4] =	wrdreg $0xC0  }
0xba: {  	_ =	task [dreg:s22], $0x5FFFF  }
0xbb: {  	[dreg:$0x1] =	wrdreg $0xFFFFFFFF  }
0xbc: {  	[dreg:$0x0] =	wrdreg $0x60  }
0xbd: {  	[dreg:$0x2] =	wrdreg s18  }
0xbe: {  	[dreg:$0x3] =	wrdreg s24  }
0xbf: {  	[dreg:$0x4] =	wrdreg $0xA  }
0xc0: {  	_ =	task.clear_ibuf [dreg:s22], $0x5FFFF;
	_ =	strace $0x90000049  }
0xc1: {  	s29 =	simm.s32 $0xA;
	_ =	strace $0x8000004B  }
0xc2: {  	_ =	swait.ge [sflag:s29], $0x1  }
0xc3: {  	[sflag:s29] =	ssyncadd.s32 $0xFFFFFFFF  }
0xc4: {  	_ =	strace $0x9000004B  }
0xc5: {  	_ =	sfence  }
0xc6: {  	s30 =	sld [smem:$0x0];
	_ =	sdelay $0x2  }
0xc7: {  	s31 =	sshll.u32 s1, $0xD;
	s1 =	sshrl.u32 s1, $0x2  }
0xc8: {  	s4 =	sand.u32 $0x4000, s31;
	s1 =	sadd.s32 s1, s30  }
0xc9: {  	s0 =	sor.u32 s4, s0;
	s1 =	sshll.u32 s1, $0x11  }
0xca: {  	s0 =	sor.u32 s1, s0  }
0xcb: {  	s0 =	sadd.s32 $0x8F2B, s0  }
0xcc: {  	[sflag:s0] =	ssyncadd.remote.s32 $0x1  }
0xcd: {  	_ =	sfence.sel $0xFFFF  }
0xce: {  	[dreg:$0x0] =	wrdreg $0xFFFFFFFF;
	(pc) =	sbr.abs _section_cstart, $3  }
0xcf: {  	[dreg:$0x1] =	wrdreg $0xFFFFFFFF  }
0xd0: {  	_ =	task.clear_ibuf [dreg:s22], $0x2FFFF;
	_ =	strace $0x9FFFFFFF  }
0xd1: {  	(tm) =	ssettm $0x7FFFFFFF  }
tec
execute0_lowered:
.L_overlay_start_1:
0x0: {  	(tag) =	ssettag $0x1  }
0x1: {  	s2 =	rddreg [dreg:$0x0];
	s3 =	srdreg.scid  }
0x2: {  	s12 =	rddreg [dreg:$0x1];
	s1 =	stileid.u32;
	s20 =	sand.u32 $0x1, s3  }
0x3: {  	s0 =	rddreg [dreg:$0x2];
	s4 =	sshll.u32 s1, $0xB;
	s5 =	sshll.u32 s20, $0xA  }
0x4: {  	s3 =	simm.s32 $0x0;
	s17 =	sadd.s32 $0x8D200, s12;
	s16 =	sor.u32 s5, s4  }
0x5: {  	[smem:$0x7FF] =	sst s3;
	s4 =	sshrl.u32 s16, $0x3;
	s18 =	sor.u32 $0x100, s16  }
0x6: {  	_ =	strace $0x8000004A;
	s4 =	sadd.s32 s17, s4;
	s28 =	sshrl.u32 s18, $0x3  }
0x7: {  	[tilespmem:s3], [sflag:$0x1] =	stream.linear.gather [hbm4b:s4+s3], $0x100, $0x38;
	[tilespmem:$0x10200] =	vst v63  }
0x8: {  	s6 =	simm.s32 $0x100;
	s7 =	simm.s32 $0x1;
	s5 =	sadd.s32 s17, s28  }
0x9: {  	[tilespmem:s6], [sflag:$0x2] =	stream.linear.gather [hbm4b:s5+s3], $0x100, $0x38;
	[tilespmem:$0x10200] =	vst v63  }
0xa: {  	_ =	swait.ge [sflag:s7], $0x100  }
0xb: {  	[sflag:s7] =	ssyncset.done $0x0  }
0xc: {  	s8 =	simm.s32 $0x200;
	s9 =	simm.s32 $0x2;
	[sflag:s7] =	ssyncadd.s32 $0xFFFFFF00  }
0xd: {  	[tilespmem:s8], [sflag:$0x3] =	stream.indirect.gather [hbm4b:s2+s6], $0x80, s3, s6, $0xb8;
	[tilespmem:$0x10200] =	vst v63  }
0xe: {  	_ =	swait.ge [sflag:s9], $0x100  }
0xf: {  	[sflag:s9] =	ssyncset.done $0x0  }
0x10: {  	s10 =	simm.s32 $0x8200;
	s11 =	simm.s32 $0x3;
	[sflag:s9] =	ssyncadd.s32 $0xFFFFFF00  }
0x11: {  	[tilespmem:s10], [sflag:$0x4] =	stream.indirect.gather [hbm4b:s2+s6], $0x80, s6, s6, $0xb8;
	[tilespmem:$0x10200] =	vst v63  }
0x12: {  	s21 =	sadd.s32 $0x8E200, s12;
	_ =	swait.ge [sflag:s11], $0x8000  }
0x13: {  	s29 =	sshll.u32 s16, $0x4;
	s19 =	sor.u32 $0x200, s16;
	[sflag:s11] =	ssyncset.done $0x0  }
0x14: {  	s12 =	sadd.s32 s21, s29;
	s13 =	sshrl.u32 s19, $0x3;
	[sflag:s11] =	ssyncadd.s32 $0xFFFF8000  }
0x15: {  	[hbm4b:s12+s3] =	stream.linear.scatter [tilespmem:s8], [sflag:$0x5], $0x8000, $0x38;
	[tilespmem:$0x10200] =	vst v63  }
0x16: {  	s14 =	simm.s32 $0x5;
	s13 =	sadd.s32 s17, s13  }
0x17: {  	[tilespmem:s3], [sflag:$0x1] =	stream.linear.gather [hbm4b:s13+s3], $0x100, $0x38;
	[tilespmem:$0x10200] =	vst v63  }
0x18: {  	_ =	swait.ge [sflag:s14], $0x8000  }
0x19: {  	[sflag:s14] =	ssyncset.done $0x0  }
0x1a: {  	[sflag:s14] =	ssyncadd.s32 $0xFFFF8000  }
0x1b: {  	_ =	swait.ge [sflag:s7], $0x100  }
0x1c: {  	[sflag:s7] =	ssyncset.done $0x0  }
0x1d: {  	s15 =	simm.s32 $0x4;
	[sflag:s7] =	ssyncadd.s32 $0xFFFFFF00  }
0x1e: {  	[tilespmem:s8], [sflag:$0x3] =	stream.indirect.gather [hbm4b:s2+s6], $0x80, s3, s6, $0xb8;
	[tilespmem:$0x10200] =	vst v63  }
0x1f: {  	_ =	swait.ge [sflag:s15], $0x8000  }
0x20: {  	s22 =	sor.u32 $0x300, s16;
	s18 =	sshll.u32 s18, $0x4;
	[sflag:s15] =	ssyncset.done $0x0  }
0x21: {  	s30 =	sshrl.u32 s22, $0x3;
	s16 =	sadd.s32 s21, s18;
	[sflag:s15] =	ssyncadd.s32 $0xFFFF8000  }
0x22: {  	[hbm4b:s16+s3] =	stream.linear.scatter [tilespmem:s10], [sflag:$0x6], $0x8000, $0x38;
	[tilespmem:$0x10200] =	vst v63  }
0x23: {  	s18 =	sadd.s32 s17, s30;
	s17 =	simm.s32 $0x6  }
0x24: {  	[tilespmem:s6], [sflag:$0x2] =	stream.linear.gather [hbm4b:s18+s3], $0x100, $0x38;
	[tilespmem:$0x10200] =	vst v63  }
0x25: {  	_ =	swait.ge [sflag:s17], $0x8000  }
0x26: {  	[sflag:s17] =	ssyncset.done $0x0  }
0x27: {  	[sflag:s17] =	ssyncadd.s32 $0xFFFF8000  }
0x28: {  	_ =	swait.ge [sflag:s9], $0x100  }
0x29: {  	[sflag:s9] =	ssyncset.done $0x0  }
0x2a: {  	[sflag:s9] =	ssyncadd.s32 $0xFFFFFF00  }
0x2b: {  	[tilespmem:s10], [sflag:$0x4] =	stream.indirect.gather [hbm4b:s2+s6], $0x80, s6, s6, $0xb8;
	[tilespmem:$0x10200] =	vst v63  }
0x2c: {  	s23 =	ssub.s32 $0x2, s20;
	_ =	swait.ge [sflag:s11], $0x8000  }
0x2d: {  	s31 =	sshrl.u32 s23, $0x1;
	s19 =	sshll.u32 s19, $0x4;
	[sflag:s11] =	ssyncset.done $0x0  }
0x2e: {  	s22 =	sshll.u32 s22, $0x4;
	s19 =	sadd.s32 s21, s19;
	[sflag:s11] =	ssyncadd.s32 $0xFFFF8000  }
0x2f: {  	[hbm4b:s19+s3] =	stream.linear.scatter [tilespmem:s8], [sflag:$0x5], $0x8000, $0x38;
	[tilespmem:$0x10200] =	vst v63  }
0x30: {  	s20 =	sadd.s32 s21, s22;
	s21 =	ssub.s32 s23, s31;
	_ =	swait.ge [sflag:s15], $0x8000  }
0x31: {  	s21 =	smax.u32 s21, $0x1;
	[sflag:s15] =	ssyncset.done $0x0  }
0x32: {  	p0 =	sne.s32 s21, $0x1;
	[sflag:s15] =	ssyncadd.s32 $0xFFFF8000  }
0x33: {  	[hbm4b:s20+s3] =	stream.linear.scatter [tilespmem:s10], [sflag:$0x6], $0x8000, $0x38;
	[tilespmem:$0x10200] =	vst v63  }
.Ltmp0:
0x34: {  	_ =	swait.ge [sflag:s14], $0x8000;
	(pc) =	sbr.rel @!p0 .LBB2_2-.Ltmp0, $4  }
0x35: {  	[sflag:s14] =	ssyncset.done $0x0  }
0x36: {  	[sflag:s14] =	ssyncadd.s32 $0xFFFF8000  }
0x37: {  	_ =	swait.ge [sflag:s17], $0x8000  }
0x38: {  	s21 =	sadd.s32 $0xFFFFFFFF, s21;
	[sflag:s17] =	ssyncset.done $0x0  }
.LBB2_1:
0x39: {  	p0 =	sne.s32 s21, $0x1;
	s21 =	sadd.s32 $0xFFFFFFFF, s21;
	[sflag:s17] =	ssyncadd.s32 $0xFFFF8000  }
0x3a: {  	[tilespmem:s3], [sflag:$0x1] =	stream.linear.gather [hbm4b:s4+s3], $0x100, $0x38;
	[tilespmem:$0x10200] =	vst v63  }
0x3b: {  	_ = 	snop  }
0x3c: {  	[tilespmem:s6], [sflag:$0x2] =	stream.linear.gather [hbm4b:s5+s3], $0x100, $0x38;
	[tilespmem:$0x10200] =	vst v63  }
0x3d: {  	_ =	swait.ge [sflag:s7], $0x100  }
0x3e: {  	[sflag:s7] =	ssyncset.done $0x0  }
0x3f: {  	[sflag:s7] =	ssyncadd.s32 $0xFFFFFF00  }
0x40: {  	[tilespmem:s8], [sflag:$0x3] =	stream.indirect.gather [hbm4b:s2+s6], $0x80, s3, s6, $0xb8;
	[tilespmem:$0x10200] =	vst v63  }
0x41: {  	_ =	swait.ge [sflag:s9], $0x100  }
0x42: {  	[sflag:s9] =	ssyncset.done $0x0  }
0x43: {  	[sflag:s9] =	ssyncadd.s32 $0xFFFFFF00  }
0x44: {  	[tilespmem:s10], [sflag:$0x4] =	stream.indirect.gather [hbm4b:s2+s6], $0x80, s6, s6, $0xb8;
	[tilespmem:$0x10200] =	vst v63  }
0x45: {  	_ =	swait.ge [sflag:s11], $0x8000  }
0x46: {  	[sflag:s11] =	ssyncset.done $0x0  }
0x47: {  	[sflag:s11] =	ssyncadd.s32 $0xFFFF8000  }
0x48: {  	[hbm4b:s12+s3] =	stream.linear.scatter [tilespmem:s8], [sflag:$0x5], $0x8000, $0x38;
	[tilespmem:$0x10200] =	vst v63  }
0x49: {  	_ = 	snop  }
0x4a: {  	[tilespmem:s3], [sflag:$0x1] =	stream.linear.gather [hbm4b:s13+s3], $0x100, $0x38;
	[tilespmem:$0x10200] =	vst v63  }
0x4b: {  	_ =	swait.ge [sflag:s14], $0x8000  }
0x4c: {  	[sflag:s14] =	ssyncset.done $0x0  }
0x4d: {  	[sflag:s14] =	ssyncadd.s32 $0xFFFF8000  }
0x4e: {  	_ =	swait.ge [sflag:s7], $0x100  }
0x4f: {  	[sflag:s7] =	ssyncset.done $0x0  }
0x50: {  	[sflag:s7] =	ssyncadd.s32 $0xFFFFFF00  }
0x51: {  	[tilespmem:s8], [sflag:$0x3] =	stream.indirect.gather [hbm4b:s2+s6], $0x80, s3, s6, $0xb8;
	[tilespmem:$0x10200] =	vst v63  }
0x52: {  	_ =	swait.ge [sflag:s15], $0x8000  }
0x53: {  	[sflag:s15] =	ssyncset.done $0x0  }
0x54: {  	[sflag:s15] =	ssyncadd.s32 $0xFFFF8000  }
0x55: {  	[hbm4b:s16+s3] =	stream.linear.scatter [tilespmem:s10], [sflag:$0x6], $0x8000, $0x38;
	[tilespmem:$0x10200] =	vst v63  }
0x56: {  	_ = 	snop  }
0x57: {  	[tilespmem:s6], [sflag:$0x2] =	stream.linear.gather [hbm4b:s18+s3], $0x100, $0x38;
	[tilespmem:$0x10200] =	vst v63  }
0x58: {  	_ =	swait.ge [sflag:s17], $0x8000  }
0x59: {  	[sflag:s17] =	ssyncset.done $0x0  }
0x5a: {  	[sflag:s17] =	ssyncadd.s32 $0xFFFF8000  }
0x5b: {  	_ =	swait.ge [sflag:s9], $0x100  }
0x5c: {  	[sflag:s9] =	ssyncset.done $0x0  }
0x5d: {  	[sflag:s9] =	ssyncadd.s32 $0xFFFFFF00  }
0x5e: {  	[tilespmem:s10], [sflag:$0x4] =	stream.indirect.gather [hbm4b:s2+s6], $0x80, s6, s6, $0xb8;
	[tilespmem:$0x10200] =	vst v63  }
0x5f: {  	_ =	swait.ge [sflag:s11], $0x8000  }
0x60: {  	[sflag:s11] =	ssyncset.done $0x0  }
0x61: {  	[sflag:s11] =	ssyncadd.s32 $0xFFFF8000  }
0x62: {  	[hbm4b:s19+s3] =	stream.linear.scatter [tilespmem:s8], [sflag:$0x5], $0x8000, $0x38;
	[tilespmem:$0x10200] =	vst v63  }
0x63: {  	_ =	swait.ge [sflag:s15], $0x8000  }
0x64: {  	[sflag:s15] =	ssyncset.done $0x0  }
0x65: {  	[sflag:s15] =	ssyncadd.s32 $0xFFFF8000  }
0x66: {  	[hbm4b:s20+s3] =	stream.linear.scatter [tilespmem:s10], [sflag:$0x6], $0x8000, $0x38;
	[tilespmem:$0x10200] =	vst v63  }
.Ltmp1:
0x67: {  	_ =	swait.ge [sflag:s14], $0x8000;
	(pc) =	sbr.rel @p0 .LBB2_1-.Ltmp1, $4  }
0x68: {  	[sflag:s14] =	ssyncset.done $0x0  }
0x69: {  	[sflag:s14] =	ssyncadd.s32 $0xFFFF8000  }
0x6a: {  	_ =	swait.ge [sflag:s17], $0x8000  }
0x6b: {  	[sflag:s17] =	ssyncset.done $0x0  }
.LBB2_2:
0x6c: {  	[sflag:s17] =	ssyncadd.s32 $0xFFFF8000  }
0x6d: {  	_ =	sfence.sel $0x180000  }
0x6e: {  	[bflag:$0x0] =	sbarrier.arrive $0xFFFF  }
0x6f: {  	p0 =	sne.s32 s1, $0x0;
	_ =	strace $0x9000004A  }
0x70: {  	s0 =	sadd.s32 @!p0 $0x100000, s0;
	[bflag:$0x2] =	sbarrier.arrive $0xFFFF  }
0x71: {  	[sflag:s0] =	ssyncadd.tile.s32 @!p0 $0x1;
	_ =	shalt  }
.Lfunc_end2:
_tile_overlayer_lowered:
.L_overlay_start_2:
0x72: {  	(tag) =	ssettag $0x2  }
0x73: {  	s0 =	rddreg [dreg:$0x0];
	s2 =	stileid.u32  }
0x74: {  	s1 =	rddreg [dreg:$0x1];
	p0 =	sne.s32 s2, $0x0  }
0x75: {  	s3 =	rddreg [dreg:$0x2];
	[bflag:$0x3] =	sbarrier.arrive $0xFFFF;
	s2 =	simm.s32 @!p0 $0x1C07  }
0x76: {  	[timem:s3], [sflag:s2] =	dma.local @!p0 [hbm:s0], s1  }
0x77: {  	s0 =	simm.s32 @!p0 $0x7  }
0x78: {  	_ =	swait.ge @!p0 [sflag:s0], s1  }
0x79: {  	s1 =	ssub.s32 @!p0 $0x0, s1;
	[sflag:s0] =	ssyncset.done @!p0 $0x0  }
0x7a: {  	[sflag:s0] =	ssyncadd.s32 @!p0 s1  }
0x7b: {  	[bflag:$0x3] =	sbarrier.arrive $0xFFFF  }
0x7c: {  	_ =	shalt  }

// kernel: kernel.8.cloned.1.call-start
scs
__scs_entry_jumppad:
0x0: {  	(pc) =	sbr.rel $0x88, $3  }
0x1: {  	(tag) =	ssettag $0x0;
	lr =	simm.s32 $0x1  }
0x2: {  	[smem:$0x3F8D] =	sst lr;
	_ =	strace $0xD0000000  }
0x3: {  	_ = 	snop  }
0x4: {  	_ = 	snop  }
0x5: {  	_ = 	snop  }
0x6: {  	_ = 	snop  }
0x7: {  	_ = 	snop  }
__scs_overlays_trampoline_lowered:
0x8: {  	[smem:$0x3F9C] =	sst s0  }
0x9: {  	[smem:$0x3F9D] =	sst s1  }
0xa: {  	[smem:$0x3F9E] =	sst s2  }
0xb: {  	[smem:$0x3F9F] =	sst s3  }
0xc: {  	[smem:$0x3FA0] =	sst s4  }
0xd: {  	[smem:$0x3FA1] =	sst s5  }
0xe: {  	[smem:$0x3FA2] =	sst s6  }
0xf: {  	[smem:$0x3FA3] =	sst s7  }
0x10: {  	[smem:$0x3FA4] =	sst s8  }
0x11: {  	[smem:$0x3FA5] =	sst s9;
	s0 =	simm.s32 @!p0 $0x0  }
0x12: {  	s1 =	sld [smem:$0x3F8B];
	s0 =	simm.s32 @p0 $0x1  }
0x13: {  	[smem:$0x3FA6] =	sst s0;
	s0 =	simm.s32 @!p1 $0x0  }
0x14: {  	s2 =	sld [smem:$0x3F8A];
	s0 =	simm.s32 @p1 $0x1  }
0x15: {  	[smem:$0x3FA7] =	sst s0;
	s0 =	simm.s32 @!p2 $0x0  }
0x16: {  	s3 =	sld [smem:$0x3FDB];
	s0 =	simm.s32 @p2 $0x1  }
0x17: {  	s4 =	simm.s32 $0x1BF5;
	[smem:$0x3FA9] =	sst s0  }
0x18: {  	s0 =	sld [smem:$0x3F8C];
	_ =	swait.ge [sflag:s4], $0x0  }
0x19: {  	s7 =	sld [smem:$0x3F8D]  }
0x1a: {  	s8 =	sadd.s32 $0xFFFFE003, lr  }
0x1b: {  	s9 =	sadd.s32 $0xFFFFFEF7, lr;
	s5 =	simm.s32 $0xFFFFFFFF;
	p2 =	slt.u32 s8, $0xFFFFF086  }
0x1c: {  	p1 =	slt.u32 s9, $0xF7A;
	s5 =	simm.s32 @!p2 $0x0  }
0x1d: {  	s5 =	simm.s32 @p1 $0x1;
	p0 =	seq.s32 s7, s2  }
0x1e: {  	s7 =	smul.u32 @!p0 $0xF7A, s2;
	p2 =	seq.s32 @!p0 s5, $0x0  }
0x1f: {  	s9 =	smul.u32 $0xF7A, s1;
	s8 =	simm.s32 @!p0 $0x1BF5;
	p2 =	por !p2, p0  }
0x20: {  	[sflag:s8] =	ssyncset.s32 @!p0 $0xFFFFF086;
	s6 =	sadd.s32 @!p0 s3, s7;
	s7 =	simm.s32 @!p0 $0x108  }
0x21: {  	s3 =	sadd.s32 s3, s9;
	s6 =	sadd.s32 @!p0 $0x88, s6;
	s7 =	simm.s32 @p2 $0x1082  }
0x22: {  	[simem:s7], [sflag:s8] =	dma.local @!p0 [hbm:s6], $0xF7A  }
0x23: {  	s9 =	sor.u32 $0xD0000000, s2;
	s6 =	simm.s32 $0x108;
	_ =	swait.ge @!p0 [sflag:s8], $0x0  }
0x24: {  	s3 =	sadd.s32 $0x88, s3;
	s6 =	simm.s32 @!p1 $0x1082;
	[sflag:s4] =	ssyncset.s32 $0xFFFFF086  }
0x25: {  	[simem:s6], [sflag:s4] =	dma.local [hbm:s3], $0xF7A  }
0x26: {  	[smem:$0x3F8D] =	sst s1;
	(tag) =	ssettag s2;
	_ =	strace s9  }
0x27: {  	s1 =	sld [smem:$0x3F9D]  }
0x28: {  	s2 =	sld [smem:$0x3F9E]  }
0x29: {  	s4 =	sld [smem:$0x3FA0]  }
0x2a: {  	p0 =	seq.s32 s5, $0x0;
	s5 =	sld [smem:$0x3FA1]  }
0x2b: {  	s6 =	sld [smem:$0x3FA2]  }
0x2c: {  	s7 =	sld [smem:$0x3FA3]  }
0x2d: {  	s3 =	simm.s32 $0x108;
	s8 =	sld [smem:$0x3FA4]  }
0x2e: {  	s3 =	simm.s32 @!p0 $0x1082;
	s9 =	sld [smem:$0x3FA5]  }
0x2f: {  	lr =	sadd.s32 s0, s3;
	s0 =	sld [smem:$0x3F9C]  }
0x30: {  	s3 =	sld [smem:$0x3F9F]  }
0x31: {  	[smem:$0x3FA8] =	sst s10  }
0x32: {  	s10 =	sld [smem:$0x3FA6];
	_ =	sdelay $0x3  }
0x33: {  	p0 =	seq.s32 s10, $0x1;
	s10 =	sld [smem:$0x3FA8];
	_ =	sdelay $0x3  }
0x34: {  	[smem:$0x3FA8] =	sst s10  }
0x35: {  	s10 =	sld [smem:$0x3FA7];
	_ =	sdelay $0x3  }
0x36: {  	p1 =	seq.s32 s10, $0x1;
	s10 =	sld [smem:$0x3FA8];
	_ =	sdelay $0x3  }
0x37: {  	[smem:$0x3FA8] =	sst s10  }
0x38: {  	s10 =	sld [smem:$0x3FA9]  }
0x39: {  	_ = 	snop;
	(pc) =	sbr.ind lr, $3  }
0x3a: {  	_ = 	snop  }
0x3b: {  	_ = 	snop  }
0x3c: {  	p2 =	seq.s32 s10, $0x1;
	s10 =	sld [smem:$0x3FA8]  }
0x3d: {  	_ =	shalt  }
0x3e: {  	_ =	shalt  }
0x3f: {  	_ =	shalt  }
0x40: {  	_ =	shalt  }
0x41: {  	_ =	shalt  }
0x42: {  	_ =	shalt  }
0x43: {  	_ =	shalt  }
0x44: {  	_ =	shalt  }
0x45: {  	_ =	shalt  }
0x46: {  	_ =	shalt  }
0x47: {  	_ =	shalt  }
0x48: {  	_ =	shalt  }
0x49: {  	_ =	shalt  }
0x4a: {  	_ =	shalt  }
0x4b: {  	_ =	shalt  }
0x4c: {  	_ =	shalt  }
0x4d: {  	_ =	shalt  }
0x4e: {  	_ =	shalt  }
0x4f: {  	_ =	shalt  }
0x50: {  	_ =	shalt  }
0x51: {  	_ =	shalt  }
0x52: {  	_ =	shalt  }
0x53: {  	_ =	shalt  }
0x54: {  	_ =	shalt  }
0x55: {  	_ =	shalt  }
0x56: {  	_ =	shalt  }
0x57: {  	_ =	shalt  }
0x58: {  	_ =	shalt  }
0x59: {  	_ =	shalt  }
0x5a: {  	_ =	shalt  }
0x5b: {  	_ =	shalt  }
0x5c: {  	_ =	shalt  }
0x5d: {  	_ =	shalt  }
0x5e: {  	_ =	shalt  }
0x5f: {  	_ =	shalt  }
0x60: {  	_ =	shalt  }
0x61: {  	_ =	shalt  }
0x62: {  	_ =	shalt  }
0x63: {  	_ =	shalt  }
0x64: {  	_ =	shalt  }
0x65: {  	_ =	shalt  }
0x66: {  	_ =	shalt  }
0x67: {  	_ =	shalt  }
0x68: {  	_ =	shalt  }
0x69: {  	_ =	shalt  }
0x6a: {  	_ =	shalt  }
0x6b: {  	_ =	shalt  }
0x6c: {  	_ =	shalt  }
0x6d: {  	_ =	shalt  }
0x6e: {  	_ =	shalt  }
0x6f: {  	_ =	shalt  }
0x70: {  	_ =	shalt  }
0x71: {  	_ =	shalt  }
0x72: {  	_ =	shalt  }
0x73: {  	_ =	shalt  }
0x74: {  	_ =	shalt  }
0x75: {  	_ =	shalt  }
0x76: {  	_ =	shalt  }
0x77: {  	_ =	shalt  }
0x78: {  	_ =	shalt  }
0x79: {  	_ =	shalt  }
0x7a: {  	_ =	shalt  }
0x7b: {  	_ =	shalt  }
0x7c: {  	_ =	shalt  }
0x7d: {  	_ =	shalt  }
0x7e: {  	_ =	shalt  }
0x7f: {  	_ =	shalt  }
0x80: {  	_ =	shalt  }
0x81: {  	_ =	shalt  }
0x82: {  	_ =	shalt  }
0x83: {  	_ =	shalt  }
0x84: {  	_ =	shalt  }
0x85: {  	_ =	shalt  }
0x86: {  	_ =	shalt  }
0x87: {  	_ =	shalt  }
.Lfunc_end0:
.L_simem_size_0:
called_computation_lowered:
.L_overlay_start_0:
0x88: {  	s2 =	sld [smem:$0x3FD9]  }
0x89: {  	s3 =	sld [smem:$0x3FFE];
	_ =	sdelay $0x1  }
0x8a: {  	s1 =	srdreg.scid  }
0x8b: {  	s0 =	sand.u32 $0x1, s1  }
0x8c: {  	s16 =	sshll.u32 s0, $0xA;
	s2 =	sadd.s32 s3, s2  }
0x8d: {  	s2 =	sadd.s32 s2, s16  }
0x8e: {  	[smem:$0x3FB4] =	sst s2  }
0x8f: {  	_ = 	snop  }
0x90: {  	(tm) =	ssettm $0x1  }
0x91: {  	s17 =	sld [smem:$0x3FFB];
	_ =	sdelay $0x3  }
0x92: {  	_ =	strace s17  }
0x93: {  	s2 =	sld [smem:$0x3FFC];
	_ =	sdelay $0x3  }
0x94: {  	_ =	strace s2  }
0x95: {  	s2 =	sld [smem:$0x3FFD];
	_ =	sdelay $0x3  }
0x96: {  	_ =	strace s2  }
0x97: {  	_ =	strace $0x8FFFFFFF  }
0x98: {  	s18 =	sld [smem:$0x3FDB];
	_ =	sdelay $0x1  }
0x99: {  	s19 =	simm.s32 $_scs_section_size  }
0x9a: {  	s4 =	simm.s32 $_size__tile_overlayer_lowered;
	s5 =	simm.s32 $_tile_overlayer_lowered  }
0x9b: {  	s22 =	simm.s32 $0x1BFF;
	s21 =	sshll.u32 s5, $0x1;
	s2 =	sadd.s32 s19, s18  }
0x9c: {  	s6 =	simm.s32 $0x0;
	s20 =	sshll.u32 s4, $0x1;
	s4 =	sadd.s32 s21, s2  }
0x9d: {  	[timem:s6], [sflag:s22] =	dma.local [hbm:s4], s20  }
0x9e: {  	_ =	swait.ge [sflag:s22], s20  }
0x9f: {  	s3 =	ssub.s32 $0x0, s20;
	[sflag:s22] =	ssyncset.done $0x0  }
0xa0: {  	[sflag:s22] =	ssyncadd.s32 s3;
	_ =	sdelay $0x1  }
0xa1: {  	s23 =	simm.s32 $0x1B8B  }
0xa2: {  	_ =	swait.ge [sflag:s23], $0x1  }
0xa3: {  	[sflag:s23] =	ssyncset.done $0x0  }
0xa4: {  	s25 =	simm.s32 $0x1B8E;
	s24 =	sld [smem:$0x3FFE];
	[sflag:s23] =	ssyncadd.s32 $0xFFFFFFFF  }
0xa5: {  	s26 =	simm.s32 $execute0_lowered;
	[smem:$0x3FD2] =	sst s25  }
0xa6: {  	s4 =	sshll.u32 s26, $0x1;
	_ =	strace $0x80000046;
	[dreg:$0x1] =	wrdreg $0xFFFFFFFF  }
0xa7: {  	s28 =	simm.s32 $_size_execute0_lowered;
	s2 =	sadd.s32 s2, s4;
	[dreg:$0x0] =	wrdreg $0x0  }
0xa8: {  	s4 =	sshll.u32 s28, $0x1;
	[dreg:$0x2] =	wrdreg s2  }
0xa9: {  	[dreg:$0x3] =	wrdreg s4  }
0xaa: {  	[dreg:$0x4] =	wrdreg $0xC0  }
0xab: {  	_ =	task [dreg:s6], $0x5FFFF  }
0xac: {  	[dreg:$0x1] =	wrdreg $0xFFFFFFFF  }
0xad: {  	[dreg:$0x0] =	wrdreg $0x60  }
0xae: {  	[dreg:$0x2] =	wrdreg s24  }
0xaf: {  	[dreg:$0x3] =	wrdreg $0x9  }
0xb0: {  	_ =	task.clear_ibuf [dreg:s6], $0x4FFFF;
	_ =	strace $0x90000046  }
0xb1: {  	s29 =	simm.s32 $0x9;
	_ =	strace $0x80000048  }
0xb2: {  	_ =	swait.ge [sflag:s29], $0x1  }
0xb3: {  	[sflag:s29] =	ssyncadd.s32 $0xFFFFFFFF  }
0xb4: {  	_ =	strace $0x90000048  }
0xb5: {  	_ =	sfence  }
0xb6: {  	s30 =	sld [smem:$0x0];
	_ =	sdelay $0x2  }
0xb7: {  	s31 =	sshll.u32 s1, $0xD;
	s1 =	sshrl.u32 s1, $0x2  }
0xb8: {  	s3 =	sand.u32 $0x4000, s31;
	s1 =	sadd.s32 s1, s30  }
0xb9: {  	s0 =	sor.u32 s3, s0;
	s1 =	sshll.u32 s1, $0x11  }
0xba: {  	s0 =	sor.u32 s1, s0  }
0xbb: {  	s0 =	sadd.s32 $0x8F2B, s0  }
0xbc: {  	[sflag:s0] =	ssyncadd.remote.s32 $0x1  }
0xbd: {  	_ =	sfence.sel $0xFFFF  }
0xbe: {  	[dreg:$0x0] =	wrdreg $0xFFFFFFFF;
	(pc) =	sbr.abs _section_cstart, $3  }
0xbf: {  	[dreg:$0x1] =	wrdreg $0xFFFFFFFF  }
0xc0: {  	_ =	task.clear_ibuf [dreg:s6], $0x2FFFF;
	_ =	strace $0x9FFFFFFF  }
0xc1: {  	(tm) =	ssettm $0x7FFFFFFF  }
tec
execute0_lowered:
.L_overlay_start_1:
0x0: {  	(tag) =	ssettag $0x1  }
0x1: {  	s2 =	srdreg.scid  }
0x2: {  	s12 =	rddreg [dreg:$0x0];
	s1 =	stileid.u32;
	s20 =	sand.u32 $0x1, s2  }
0x3: {  	s0 =	rddreg [dreg:$0x1];
	s3 =	sshll.u32 s1, $0xB;
	s4 =	sshll.u32 s20, $0xA  }
0x4: {  	s2 =	simm.s32 $0x0;
	s17 =	sadd.s32 $0xC200, s12;
	s16 =	sor.u32 s4, s3  }
0x5: {  	[smem:$0x7FF] =	sst s2;
	s3 =	sshrl.u32 s16, $0x3;
	s18 =	sor.u32 $0x100, s16  }
0x6: {  	_ =	strace $0x80000047;
	s3 =	sadd.s32 s17, s3;
	s28 =	sshrl.u32 s18, $0x3  }
0x7: {  	[tilespmem:s2], [sflag:$0x1] =	stream.linear.gather [hbm4b:s3+s2], $0x100, $0x38;
	[tilespmem:$0x10200] =	vst v63  }
0x8: {  	s5 =	simm.s32 $0x100;
	s6 =	simm.s32 $0x1;
	s4 =	sadd.s32 s17, s28  }
0x9: {  	[tilespmem:s5], [sflag:$0x2] =	stream.linear.gather [hbm4b:s4+s2], $0x100, $0x38;
	[tilespmem:$0x10200] =	vst v63  }
0xa: {  	_ =	swait.ge [sflag:s6], $0x100  }
0xb: {  	s8 =	simm.s32 $0x200;
	[sflag:s6] =	ssyncset.done $0x0  }
0xc: {  	s9 =	simm.s32 $0x2;
	s7 =	sadd.s32 $0x4200, s12;
	[sflag:s6] =	ssyncadd.s32 $0xFFFFFF00  }
0xd: {  	[tilespmem:s8], [sflag:$0x3] =	stream.indirect.gather [hbm4b:s7+s5], $0x80, s2, s5, $0xb8;
	[tilespmem:$0x10200] =	vst v63  }
0xe: {  	_ =	swait.ge [sflag:s9], $0x100  }
0xf: {  	[sflag:s9] =	ssyncset.done $0x0  }
0x10: {  	s10 =	simm.s32 $0x8200;
	s11 =	simm.s32 $0x3;
	[sflag:s9] =	ssyncadd.s32 $0xFFFFFF00  }
0x11: {  	[tilespmem:s10], [sflag:$0x4] =	stream.indirect.gather [hbm4b:s7+s5], $0x80, s5, s5, $0xb8;
	[tilespmem:$0x10200] =	vst v63  }
0x12: {  	s21 =	sadd.s32 $0xD200, s12;
	_ =	swait.ge [sflag:s11], $0x8000  }
0x13: {  	s29 =	sshll.u32 s16, $0x4;
	s19 =	sor.u32 $0x200, s16;
	[sflag:s11] =	ssyncset.done $0x0  }
0x14: {  	s12 =	sadd.s32 s21, s29;
	s13 =	sshrl.u32 s19, $0x3;
	[sflag:s11] =	ssyncadd.s32 $0xFFFF8000  }
0x15: {  	[hbm4b:s12+s2] =	stream.linear.scatter [tilespmem:s8], [sflag:$0x5], $0x8000, $0x38;
	[tilespmem:$0x10200] =	vst v63  }
0x16: {  	s14 =	simm.s32 $0x5;
	s13 =	sadd.s32 s17, s13  }
0x17: {  	[tilespmem:s2], [sflag:$0x1] =	stream.linear.gather [hbm4b:s13+s2], $0x100, $0x38;
	[tilespmem:$0x10200] =	vst v63  }
0x18: {  	_ =	swait.ge [sflag:s14], $0x8000  }
0x19: {  	[sflag:s14] =	ssyncset.done $0x0  }
0x1a: {  	[sflag:s14] =	ssyncadd.s32 $0xFFFF8000  }
0x1b: {  	_ =	swait.ge [sflag:s6], $0x100  }
0x1c: {  	[sflag:s6] =	ssyncset.done $0x0  }
0x1d: {  	s15 =	simm.s32 $0x4;
	[sflag:s6] =	ssyncadd.s32 $0xFFFFFF00  }
0x1e: {  	[tilespmem:s8], [sflag:$0x3] =	stream.indirect.gather [hbm4b:s7+s5], $0x80, s2, s5, $0xb8;
	[tilespmem:$0x10200] =	vst v63  }
0x1f: {  	_ =	swait.ge [sflag:s15], $0x8000  }
0x20: {  	s22 =	sor.u32 $0x300, s16;
	s18 =	sshll.u32 s18, $0x4;
	[sflag:s15] =	ssyncset.done $0x0  }
0x21: {  	s30 =	sshrl.u32 s22, $0x3;
	s16 =	sadd.s32 s21, s18;
	[sflag:s15] =	ssyncadd.s32 $0xFFFF8000  }
0x22: {  	[hbm4b:s16+s2] =	stream.linear.scatter [tilespmem:s10], [sflag:$0x6], $0x8000, $0x38;
	[tilespmem:$0x10200] =	vst v63  }
0x23: {  	s18 =	sadd.s32 s17, s30;
	s17 =	simm.s32 $0x6  }
0x24: {  	[tilespmem:s5], [sflag:$0x2] =	stream.linear.gather [hbm4b:s18+s2], $0x100, $0x38;
	[tilespmem:$0x10200] =	vst v63  }
0x25: {  	_ =	swait.ge [sflag:s17], $0x8000  }
0x26: {  	[sflag:s17] =	ssyncset.done $0x0  }
0x27: {  	[sflag:s17] =	ssyncadd.s32 $0xFFFF8000  }
0x28: {  	_ =	swait.ge [sflag:s9], $0x100  }
0x29: {  	[sflag:s9] =	ssyncset.done $0x0  }
0x2a: {  	[sflag:s9] =	ssyncadd.s32 $0xFFFFFF00  }
0x2b: {  	[tilespmem:s10], [sflag:$0x4] =	stream.indirect.gather [hbm4b:s7+s5], $0x80, s5, s5, $0xb8;
	[tilespmem:$0x10200] =	vst v63  }
0x2c: {  	s23 =	ssub.s32 $0x2, s20;
	_ =	swait.ge [sflag:s11], $0x8000  }
0x2d: {  	s31 =	sshrl.u32 s23, $0x1;
	s19 =	sshll.u32 s19, $0x4;
	[sflag:s11] =	ssyncset.done $0x0  }
0x2e: {  	s22 =	sshll.u32 s22, $0x4;
	s19 =	sadd.s32 s21, s19;
	[sflag:s11] =	ssyncadd.s32 $0xFFFF8000  }
0x2f: {  	[hbm4b:s19+s2] =	stream.linear.scatter [tilespmem:s8], [sflag:$0x5], $0x8000, $0x38;
	[tilespmem:$0x10200] =	vst v63  }
0x30: {  	s20 =	sadd.s32 s21, s22;
	s21 =	ssub.s32 s23, s31;
	_ =	swait.ge [sflag:s15], $0x8000  }
0x31: {  	s21 =	smax.u32 s21, $0x1;
	[sflag:s15] =	ssyncset.done $0x0  }
0x32: {  	p0 =	sne.s32 s21, $0x1;
	[sflag:s15] =	ssyncadd.s32 $0xFFFF8000  }
0x33: {  	[hbm4b:s20+s2] =	stream.linear.scatter [tilespmem:s10], [sflag:$0x6], $0x8000, $0x38;
	[tilespmem:$0x10200] =	vst v63  }
.Ltmp0:
0x34: {  	_ =	swait.ge [sflag:s14], $0x8000;
	(pc) =	sbr.rel @!p0 .LBB2_2-.Ltmp0, $4  }
0x35: {  	[sflag:s14] =	ssyncset.done $0x0  }
0x36: {  	[sflag:s14] =	ssyncadd.s32 $0xFFFF8000  }
0x37: {  	_ =	swait.ge [sflag:s17], $0x8000  }
0x38: {  	s21 =	sadd.s32 $0xFFFFFFFF, s21;
	[sflag:s17] =	ssyncset.done $0x0  }
.LBB2_1:
0x39: {  	p0 =	sne.s32 s21, $0x1;
	s21 =	sadd.s32 $0xFFFFFFFF, s21;
	[sflag:s17] =	ssyncadd.s32 $0xFFFF8000  }
0x3a: {  	[tilespmem:s2], [sflag:$0x1] =	stream.linear.gather [hbm4b:s3+s2], $0x100, $0x38;
	[tilespmem:$0x10200] =	vst v63  }
0x3b: {  	_ = 	snop  }
0x3c: {  	[tilespmem:s5], [sflag:$0x2] =	stream.linear.gather [hbm4b:s4+s2], $0x100, $0x38;
	[tilespmem:$0x10200] =	vst v63  }
0x3d: {  	_ =	swait.ge [sflag:s6], $0x100  }
0x3e: {  	[sflag:s6] =	ssyncset.done $0x0  }
0x3f: {  	[sflag:s6] =	ssyncadd.s32 $0xFFFFFF00  }
0x40: {  	[tilespmem:s8], [sflag:$0x3] =	stream.indirect.gather [hbm4b:s7+s5], $0x80, s2, s5, $0xb8;
	[tilespmem:$0x10200] =	vst v63  }
0x41: {  	_ =	swait.ge [sflag:s9], $0x100  }
0x42: {  	[sflag:s9] =	ssyncset.done $0x0  }
0x43: {  	[sflag:s9] =	ssyncadd.s32 $0xFFFFFF00  }
0x44: {  	[tilespmem:s10], [sflag:$0x4] =	stream.indirect.gather [hbm4b:s7+s5], $0x80, s5, s5, $0xb8;
	[tilespmem:$0x10200] =	vst v63  }
0x45: {  	_ =	swait.ge [sflag:s11], $0x8000  }
0x46: {  	[sflag:s11] =	ssyncset.done $0x0  }
0x47: {  	[sflag:s11] =	ssyncadd.s32 $0xFFFF8000  }
0x48: {  	[hbm4b:s12+s2] =	stream.linear.scatter [tilespmem:s8], [sflag:$0x5], $0x8000, $0x38;
	[tilespmem:$0x10200] =	vst v63  }
0x49: {  	_ = 	snop  }
0x4a: {  	[tilespmem:s2], [sflag:$0x1] =	stream.linear.gather [hbm4b:s13+s2], $0x100, $0x38;
	[tilespmem:$0x10200] =	vst v63  }
0x4b: {  	_ =	swait.ge [sflag:s14], $0x8000  }
0x4c: {  	[sflag:s14] =	ssyncset.done $0x0  }
0x4d: {  	[sflag:s14] =	ssyncadd.s32 $0xFFFF8000  }
0x4e: {  	_ =	swait.ge [sflag:s6], $0x100  }
0x4f: {  	[sflag:s6] =	ssyncset.done $0x0  }
0x50: {  	[sflag:s6] =	ssyncadd.s32 $0xFFFFFF00  }
0x51: {  	[tilespmem:s8], [sflag:$0x3] =	stream.indirect.gather [hbm4b:s7+s5], $0x80, s2, s5, $0xb8;
	[tilespmem:$0x10200] =	vst v63  }
0x52: {  	_ =	swait.ge [sflag:s15], $0x8000  }
0x53: {  	[sflag:s15] =	ssyncset.done $0x0  }
0x54: {  	[sflag:s15] =	ssyncadd.s32 $0xFFFF8000  }
0x55: {  	[hbm4b:s16+s2] =	stream.linear.scatter [tilespmem:s10], [sflag:$0x6], $0x8000, $0x38;
	[tilespmem:$0x10200] =	vst v63  }
0x56: {  	_ = 	snop  }
0x57: {  	[tilespmem:s5], [sflag:$0x2] =	stream.linear.gather [hbm4b:s18+s2], $0x100, $0x38;
	[tilespmem:$0x10200] =	vst v63  }
0x58: {  	_ =	swait.ge [sflag:s17], $0x8000  }
0x59: {  	[sflag:s17] =	ssyncset.done $0x0  }
0x5a: {  	[sflag:s17] =	ssyncadd.s32 $0xFFFF8000  }
0x5b: {  	_ =	swait.ge [sflag:s9], $0x100  }
0x5c: {  	[sflag:s9] =	ssyncset.done $0x0  }
0x5d: {  	[sflag:s9] =	ssyncadd.s32 $0xFFFFFF00  }
0x5e: {  	[tilespmem:s10], [sflag:$0x4] =	stream.indirect.gather [hbm4b:s7+s5], $0x80, s5, s5, $0xb8;
	[tilespmem:$0x10200] =	vst v63  }
0x5f: {  	_ =	swait.ge [sflag:s11], $0x8000  }
0x60: {  	[sflag:s11] =	ssyncset.done $0x0  }
0x61: {  	[sflag:s11] =	ssyncadd.s32 $0xFFFF8000  }
0x62: {  	[hbm4b:s19+s2] =	stream.linear.scatter [tilespmem:s8], [sflag:$0x5], $0x8000, $0x38;
	[tilespmem:$0x10200] =	vst v63  }
0x63: {  	_ =	swait.ge [sflag:s15], $0x8000  }
0x64: {  	[sflag:s15] =	ssyncset.done $0x0  }
0x65: {  	[sflag:s15] =	ssyncadd.s32 $0xFFFF8000  }
0x66: {  	[hbm4b:s20+s2] =	stream.linear.scatter [tilespmem:s10], [sflag:$0x6], $0x8000, $0x38;
	[tilespmem:$0x10200] =	vst v63  }
.Ltmp1:
0x67: {  	_ =	swait.ge [sflag:s14], $0x8000;
	(pc) =	sbr.rel @p0 .LBB2_1-.Ltmp1, $4  }
0x68: {  	[sflag:s14] =	ssyncset.done $0x0  }
0x69: {  	[sflag:s14] =	ssyncadd.s32 $0xFFFF8000  }
0x6a: {  	_ =	swait.ge [sflag:s17], $0x8000  }
0x6b: {  	[sflag:s17] =	ssyncset.done $0x0  }
.LBB2_2:
0x6c: {  	[sflag:s17] =	ssyncadd.s32 $0xFFFF8000  }
0x6d: {  	_ =	sfence.sel $0x180000  }
0x6e: {  	[bflag:$0x0] =	sbarrier.arrive $0xFFFF  }
0x6f: {  	p0 =	sne.s32 s1, $0x0;
	_ =	strace $0x90000047  }
0x70: {  	s0 =	sadd.s32 @!p0 $0x100000, s0;
	[bflag:$0x2] =	sbarrier.arrive $0xFFFF  }
0x71: {  	[sflag:s0] =	ssyncadd.tile.s32 @!p0 $0x1;
	_ =	shalt  }
.Lfunc_end2:
_tile_overlayer_lowered:
.L_overlay_start_2:
0x72: {  	(tag) =	ssettag $0x2  }
0x73: {  	s0 =	rddreg [dreg:$0x0];
	s2 =	stileid.u32  }
0x74: {  	s1 =	rddreg [dreg:$0x1];
	p0 =	sne.s32 s2, $0x0  }
0x75: {  	s3 =	rddreg [dreg:$0x2];
	[bflag:$0x3] =	sbarrier.arrive $0xFFFF;
	s2 =	simm.s32 @!p0 $0x1C07  }
0x76: {  	[timem:s3], [sflag:s2] =	dma.local @!p0 [hbm:s0], s1  }
0x77: {  	s0 =	simm.s32 @!p0 $0x7  }
0x78: {  	_ =	swait.ge @!p0 [sflag:s0], s1  }
0x79: {  	s1 =	ssub.s32 @!p0 $0x0, s1;
	[sflag:s0] =	ssyncset.done @!p0 $0x0  }
0x7a: {  	[sflag:s0] =	ssyncadd.s32 @!p0 s1  }
0x7b: {  	[bflag:$0x3] =	sbarrier.arrive $0xFFFF  }
0x7c: {  	_ =	shalt  }

</sc_bundles>
